<compile_context>
chip_gen: v7x
topology: tpu7x:2x2x1
jax: 0.10.2.dev20260603
libtpu: 0.0.44.dev20260713+nightly
codegen_flags: <defaults>
</compile_context>

<pallas_src>
import functools
import math

import jax
import jax.numpy as jnp
from jax import lax
from jax.experimental import pallas as pl
from jax.experimental.pallas import tpu as pltpu
from jax.experimental.pallas import tpu_sc as plsc

D_MODEL = 64
SCALE = math.sqrt(D_MODEL)
CHUNK = 128
NBUF = 5


_DBLK = 4096


def _detile_body(a_ref, b_ref, out_ref):
    out_ref[...] = jnp.concatenate([a_ref[...].T, b_ref[...].T], axis=1)


def _detile(table_t, V):
    nb = (V + 2 * _DBLK - 1) // (2 * _DBLK)
    last_blk = (V - 1) // _DBLK
    return pl.pallas_call(
        _detile_body,
        grid=(nb,),
        in_specs=[
            pl.BlockSpec((D_MODEL, _DBLK), lambda i: (0, 2 * i)),
            pl.BlockSpec((D_MODEL, _DBLK),
                         lambda i: (0, jnp.minimum(2 * i + 1, last_blk))),
        ],
        out_specs=pl.BlockSpec((_DBLK, 2 * D_MODEL), lambda i: (i, 0)),
        out_shape=jax.ShapeDtypeStruct((nb * _DBLK, 2 * D_MODEL),
                                       jnp.float32),
    )(table_t, table_t)


@functools.lru_cache(maxsize=None)
def _build(B, V, n_rows, n_cols):
    info = plsc.get_sparse_core_info()
    NW = info.num_cores * info.num_subcores
    NC = info.num_cores
    assert B % (NW * CHUNK) == 0
    b_per_w = B // NW
    n_chunks = b_per_w // CHUNK
    assert n_chunks % NBUF == 0

    mesh = plsc.VectorSubcoreMesh(core_axis_name="c", subcore_axis_name="s")

    scratch = [pltpu.VMEM((n_chunks, CHUNK), jnp.int32)]
    scratch += [pltpu.VMEM((CHUNK, D_MODEL), jnp.float32) for _ in range(NBUF)]
    scratch += [pltpu.SemaphoreType.DMA for _ in range(2 * NBUF)]

    @functools.partial(
        pl.kernel,
        mesh=mesh,
        compiler_params=pltpu.CompilerParams(use_tc_tiling_on_sc=False),
        out_type=jax.ShapeDtypeStruct((B, D_MODEL), jnp.float32),
        scratch_types=scratch,
    )
    def emb_kernel(idx_hbm, table_hbm, out_hbm, idx_v, *bufs_and_sems):
        bufs = bufs_and_sems[:NBUF]
        sem_g = bufs_and_sems[NBUF:2 * NBUF]
        sem_s = bufs_and_sems[2 * NBUF:]
        wid = lax.axis_index("s") * NC + lax.axis_index("c")
        base = wid * b_per_w

        pltpu.sync_copy(idx_hbm.at[wid], idx_v)

        def gather_start(c, b):
            pltpu.make_async_copy(
                table_hbm.at[idx_v.at[c]], bufs[b], sem_g[b]).start()

        def gather_wait(b):
            pltpu.make_async_copy(
                table_hbm.at[idx_v.at[0]], bufs[b], sem_g[b]).wait()

        def store_start(c, b):
            pltpu.make_async_copy(
                bufs[b], out_hbm.at[pl.ds(base + c * CHUNK, CHUNK)],
                sem_s[b]).start()

        def store_wait(b):
            pltpu.make_async_copy(
                bufs[b], out_hbm.at[pl.ds(base, CHUNK)], sem_s[b]).wait()

        for b in range(NBUF - 1):
            gather_start(b, b)

        def outer_body(o, _):
            for b in range(NBUF):
                c = o + b
                gather_wait(b)

                @plsc.parallel_loop(0, CHUNK, step=1, unroll=4)
                def scale_row(r):
                    for k in range(D_MODEL // 16):
                        sl = (r, pl.ds(k * 16, 16))
                        bufs[b][sl] = bufs[b][sl] * SCALE

                store_start(c, b)
                bp = (b - 1) % NBUF
                p = c + NBUF - 1

                @pl.when((c >= 1) & (p < n_chunks))
                def _():
                    store_wait(bp)

                @pl.when(p < n_chunks)
                def _():
                    gather_start(p, bp)

            return 0

        lax.fori_loop(0, n_chunks // NBUF, lambda i, _: outer_body(i * NBUF, 0), 0)

        for b in range(NBUF):
            store_wait(b)

    def run(x, table):
        xi = x.reshape(-1).astype(jnp.int32)
        g = xi >> 12
        r = xi & (_DBLK - 1)
        i64 = 2 * ((g >> 1) * _DBLK + r) + (g & 1)
        idx3d = i64.reshape(NW, n_chunks, CHUNK)
        table2 = _detile(table.T, V)
        table_lin = table2.reshape(2 * table2.shape[0], D_MODEL)
        out = emb_kernel(idx3d, table_lin)
        return out.reshape(n_rows, n_cols, D_MODEL)

    return run


def kernel(x, table):
    n_rows, n_cols = x.shape
    V = table.shape[0]
    return _build(n_rows * n_cols, V, n_rows, n_cols)(x, table)

# --- scband reference (transcript-rebuilt; emitter-appended) ---
"""Pipeline reference for scband-input-embedding-8546984919663 (READ-ONLY COPY).

The authoritative reference and input builder live on the scoring server;
editing this copy changes nothing except your own understanding.
"""

import jax, jax.numpy as jnp
import numpy as np
import math

D_MODEL = 64
VOCAB_SIZE = 1000000

def setup_inputs(seed: int = 0) -> dict:
    key = jax.random.key(seed)
    k_idx, k_tab = jax.random.split(key)
    x = jax.random.randint(k_idx, (1024, 200), 0, VOCAB_SIZE, dtype=jnp.int64)
    table = jax.random.normal(k_tab, (VOCAB_SIZE, D_MODEL), dtype=jnp.float32)
    return {"x": x, "table": table}

def reference(x, table):
    # nn.Embedding lookup followed by scaling by sqrt(d_model)
    emb = jnp.take(table, x, axis=0)
    return emb * math.sqrt(D_MODEL)

if __name__ == "__main__":
    import jax
    _d = setup_inputs()
    print(jax.jit(kernel)(*tuple(_d.values())))

</pallas_src>

<mosaic_0001>
#map = affine_map<(d0, d1) -> (0, 0, 0)>
#map1 = affine_map<(d0, d1) -> (0, 0)>
module attributes {stable_mosaic.version = 14 : i64} {
  func.func @emb_kernel(%arg0: i32, %arg1: i32, %arg2: memref<32x50x128xi32, #tpu.memory_space<hbm>>, %arg3: memref<1007616x64xf32, #tpu.memory_space<hbm>>, %arg4: memref<204800x64xf32, #tpu.memory_space<hbm>>, %arg5: memref<50x128xi32, #tpu.memory_space<vmem>>, %arg6: memref<128x64xf32, #tpu.memory_space<vmem>>, %arg7: memref<128x64xf32, #tpu.memory_space<vmem>>, %arg8: memref<128x64xf32, #tpu.memory_space<vmem>>, %arg9: memref<128x64xf32, #tpu.memory_space<vmem>>, %arg10: memref<128x64xf32, #tpu.memory_space<vmem>>, %arg11: memref<!tpu.dma_semaphore, #tpu.memory_space<semaphore_mem>>, %arg12: memref<!tpu.dma_semaphore, #tpu.memory_space<semaphore_mem>>, %arg13: memref<!tpu.dma_semaphore, #tpu.memory_space<semaphore_mem>>, %arg14: memref<!tpu.dma_semaphore, #tpu.memory_space<semaphore_mem>>, %arg15: memref<!tpu.dma_semaphore, #tpu.memory_space<semaphore_mem>>, %arg16: memref<!tpu.dma_semaphore, #tpu.memory_space<semaphore_mem>>, %arg17: memref<!tpu.dma_semaphore, #tpu.memory_space<semaphore_mem>>, %arg18: memref<!tpu.dma_semaphore, #tpu.memory_space<semaphore_mem>>, %arg19: memref<!tpu.dma_semaphore, #tpu.memory_space<semaphore_mem>>, %arg20: memref<!tpu.dma_semaphore, #tpu.memory_space<semaphore_mem>>) attributes {dimension_semantics = [#tpu.dimension_semantics<core_parallel>, #tpu.dimension_semantics<subcore_parallel>], iteration_bounds = array<i64: 2, 16>, scalar_prefetch = 0 : i64, scratch_operands = 16 : i64, tpu.core_type = #tpu.core_type<sc_vector_subcore>, window_params = [{transform_indices = #map}, {transform_indices = #map1}, {transform_indices = #map1}]} {
    %mul3A = arith.constant 2 : i32
    %mul3A_0 = arith.muli %arg1, %mul3A : i32
    %add3A = arith.addi %mul3A_0, %arg0 : i32
    %mul3A_1 = arith.constant 6400 : i32
    %mul3A_2 = arith.muli %add3A, %mul3A_1 : i32
    "tpu.region"() ({
      %run_scoped3A = tpu.sem_alloc : memref<!tpu.dma_semaphore, #tpu.memory_space<semaphore_mem>>
      %dma_start3A_55 = arith.constant 0 : i32
      %dma_start3A_56 = arith.constant 0 : i32
      %dma_start3A_57 = tpu.memref_slice %arg2[%add3A, %dma_start3A_55, %dma_start3A_56] : memref<32x50x128xi32, #tpu.memory_space<hbm>> -> memref<1x50x128xi32, #tpu.memory_space<hbm>>
      %dma_start3A_58 = tpu.memref_squeeze %dma_start3A_57 : memref<1x50x128xi32, #tpu.memory_space<hbm>> -> memref<50x128xi32, #tpu.memory_space<hbm>>
      %dma_start3A_59 = arith.constant 0 : i32
      %dma_start3A_60 = arith.constant 0 : i32
      %dma_start3A_61 = tpu.memref_slice %arg2[%add3A, %dma_start3A_59, %dma_start3A_60] : memref<32x50x128xi32, #tpu.memory_space<hbm>> -> memref<1x50x128xi32, #tpu.memory_space<hbm>>
      %dma_start3A_62 = tpu.memref_squeeze %dma_start3A_61 : memref<1x50x128xi32, #tpu.memory_space<hbm>> -> memref<50x128xi32, #tpu.memory_space<hbm>>
      tpu.enqueue_dma source(%dma_start3A_62 : memref<50x128xi32, #tpu.memory_space<hbm>>) target(%arg5 : memref<50x128xi32, #tpu.memory_space<vmem>>) target_semaphore(%run_scoped3A : memref<!tpu.dma_semaphore, #tpu.memory_space<semaphore_mem>>)
      %dma_wait3A_63 = arith.constant 0 : i32
      %dma_wait3A_64 = arith.constant 0 : i32
      %dma_wait3A_65 = tpu.memref_slice %arg2[%add3A, %dma_wait3A_63, %dma_wait3A_64] : memref<32x50x128xi32, #tpu.memory_space<hbm>> -> memref<1x50x128xi32, #tpu.memory_space<hbm>>
      %dma_wait3A_66 = tpu.memref_squeeze %dma_wait3A_65 : memref<1x50x128xi32, #tpu.memory_space<hbm>> -> memref<50x128xi32, #tpu.memory_space<hbm>>
      %dma_wait3A_67 = arith.constant 0 : i32
      %dma_wait3A_68 = arith.constant 0 : i32
      %dma_wait3A_69 = tpu.memref_slice %arg2[%add3A, %dma_wait3A_67, %dma_wait3A_68] : memref<32x50x128xi32, #tpu.memory_space<hbm>> -> memref<1x50x128xi32, #tpu.memory_space<hbm>>
      %dma_wait3A_70 = tpu.memref_squeeze %dma_wait3A_69 : memref<1x50x128xi32, #tpu.memory_space<hbm>> -> memref<50x128xi32, #tpu.memory_space<hbm>>
      tpu.wait_dma2 semaphore(%run_scoped3A : memref<!tpu.dma_semaphore, #tpu.memory_space<semaphore_mem>>) src(%dma_wait3A_70 : memref<50x128xi32, #tpu.memory_space<hbm>>) dst(%arg5 : memref<50x128xi32, #tpu.memory_space<vmem>>)
      tpu.yield
    }) : () -> ()
    %dma_start3A = arith.constant 0 : i32
    %dma_start3A_3 = arith.constant 0 : i32
    %dma_start3A_4 = tpu.memref_slice %arg5[%dma_start3A, %dma_start3A_3] : memref<50x128xi32, #tpu.memory_space<vmem>> -> memref<1x128xi32, #tpu.memory_space<vmem>>
    %dma_start3A_5 = tpu.memref_squeeze %dma_start3A_4 : memref<1x128xi32, #tpu.memory_space<vmem>> -> memref<128xi32, #tpu.memory_space<vmem>>
    %dma_start3A_6 = arith.constant 0 : i32
    %dma_start3A_7 = arith.constant 0 : i32
    %dma_start3A_8 = tpu.memref_slice %arg3[%dma_start3A_6, %dma_start3A_7] : memref<1007616x64xf32, #tpu.memory_space<hbm>> -> memref<1007616x64xf32, #tpu.memory_space<hbm>>
    tpu.enqueue_indirect_dma source(%dma_start3A_8 : memref<1007616x64xf32, #tpu.memory_space<hbm>>) target(%arg6 : memref<128x64xf32, #tpu.memory_space<vmem>>) offsets(%dma_start3A_5 : memref<128xi32, #tpu.memory_space<vmem>>) semaphore(%arg11 : memref<!tpu.dma_semaphore, #tpu.memory_space<semaphore_mem>>)
    %dma_start3A_9 = arith.constant 1 : i32
    %dma_start3A_10 = arith.constant 0 : i32
    %dma_start3A_11 = tpu.memref_slice %arg5[%dma_start3A_9, %dma_start3A_10] : memref<50x128xi32, #tpu.memory_space<vmem>> -> memref<1x128xi32, #tpu.memory_space<vmem>>
    %dma_start3A_12 = tpu.memref_squeeze %dma_start3A_11 : memref<1x128xi32, #tpu.memory_space<vmem>> -> memref<128xi32, #tpu.memory_space<vmem>>
    %dma_start3A_13 = arith.constant 0 : i32
    %dma_start3A_14 = arith.constant 0 : i32
    %dma_start3A_15 = tpu.memref_slice %arg3[%dma_start3A_13, %dma_start3A_14] : memref<1007616x64xf32, #tpu.memory_space<hbm>> -> memref<1007616x64xf32, #tpu.memory_space<hbm>>
    tpu.enqueue_indirect_dma source(%dma_start3A_15 : memref<1007616x64xf32, #tpu.memory_space<hbm>>) target(%arg7 : memref<128x64xf32, #tpu.memory_space<vmem>>) offsets(%dma_start3A_12 : memref<128xi32, #tpu.memory_space<vmem>>) semaphore(%arg12 : memref<!tpu.dma_semaphore, #tpu.memory_space<semaphore_mem>>)
    %dma_start3A_16 = arith.constant 2 : i32
    %dma_start3A_17 = arith.constant 0 : i32
    %dma_start3A_18 = tpu.memref_slice %arg5[%dma_start3A_16, %dma_start3A_17] : memref<50x128xi32, #tpu.memory_space<vmem>> -> memref<1x128xi32, #tpu.memory_space<vmem>>
    %dma_start3A_19 = tpu.memref_squeeze %dma_start3A_18 : memref<1x128xi32, #tpu.memory_space<vmem>> -> memref<128xi32, #tpu.memory_space<vmem>>
    %dma_start3A_20 = arith.constant 0 : i32
    %dma_start3A_21 = arith.constant 0 : i32
    %dma_start3A_22 = tpu.memref_slice %arg3[%dma_start3A_20, %dma_start3A_21] : memref<1007616x64xf32, #tpu.memory_space<hbm>> -> memref<1007616x64xf32, #tpu.memory_space<hbm>>
    tpu.enqueue_indirect_dma source(%dma_start3A_22 : memref<1007616x64xf32, #tpu.memory_space<hbm>>) target(%arg8 : memref<128x64xf32, #tpu.memory_space<vmem>>) offsets(%dma_start3A_19 : memref<128xi32, #tpu.memory_space<vmem>>) semaphore(%arg13 : memref<!tpu.dma_semaphore, #tpu.memory_space<semaphore_mem>>)
    %dma_start3A_23 = arith.constant 3 : i32
    %dma_start3A_24 = arith.constant 0 : i32
    %dma_start3A_25 = tpu.memref_slice %arg5[%dma_start3A_23, %dma_start3A_24] : memref<50x128xi32, #tpu.memory_space<vmem>> -> memref<1x128xi32, #tpu.memory_space<vmem>>
    %dma_start3A_26 = tpu.memref_squeeze %dma_start3A_25 : memref<1x128xi32, #tpu.memory_space<vmem>> -> memref<128xi32, #tpu.memory_space<vmem>>
    %dma_start3A_27 = arith.constant 0 : i32
    %dma_start3A_28 = arith.constant 0 : i32
    %dma_start3A_29 = tpu.memref_slice %arg3[%dma_start3A_27, %dma_start3A_28] : memref<1007616x64xf32, #tpu.memory_space<hbm>> -> memref<1007616x64xf32, #tpu.memory_space<hbm>>
    tpu.enqueue_indirect_dma source(%dma_start3A_29 : memref<1007616x64xf32, #tpu.memory_space<hbm>>) target(%arg9 : memref<128x64xf32, #tpu.memory_space<vmem>>) offsets(%dma_start3A_26 : memref<128xi32, #tpu.memory_space<vmem>>) semaphore(%arg14 : memref<!tpu.dma_semaphore, #tpu.memory_space<semaphore_mem>>)
    %scan3A = arith.constant 0 : i32
    %scan3A_30 = arith.constant 0 : i32
    %scan3A_31 = arith.constant 10 : i32
    %scan3A_32 = arith.addi %scan3A_30, %scan3A_31 : i32
    %scan3A_33 = arith.constant 1 : i32
    %scan3A_34 = scf.for %scan3A_55 = %scan3A_30 to %scan3A_32 step %scan3A_33 iter_args(%scan3A_56 = %scan3A) -> (i32)  : i32 {
      %mul3A_57 = arith.constant 5 : i32
      %mul3A_58 = arith.muli %scan3A_55, %mul3A_57 : i32
      %add3A_59 = arith.constant 0 : i32
      %add3A_60 = arith.addi %mul3A_58, %add3A_59 : i32
      %dma_wait3A_61 = arith.constant 0 : i32
      %dma_wait3A_62 = arith.constant 0 : i32
      %dma_wait3A_63 = tpu.memref_slice %arg5[%dma_wait3A_61, %dma_wait3A_62] : memref<50x128xi32, #tpu.memory_space<vmem>> -> memref<1x128xi32, #tpu.memory_space<vmem>>
      %dma_wait3A_64 = tpu.memref_squeeze %dma_wait3A_63 : memref<1x128xi32, #tpu.memory_space<vmem>> -> memref<128xi32, #tpu.memory_space<vmem>>
      %dma_wait3A_65 = arith.constant 0 : i32
      %dma_wait3A_66 = arith.constant 0 : i32
      %dma_wait3A_67 = tpu.memref_slice %arg3[%dma_wait3A_65, %dma_wait3A_66] : memref<1007616x64xf32, #tpu.memory_space<hbm>> -> memref<1007616x64xf32, #tpu.memory_space<hbm>>
      tpu.wait_indirect_dma semaphore(%arg11 : memref<!tpu.dma_semaphore, #tpu.memory_space<semaphore_mem>>) src(%dma_wait3A_67 : memref<1007616x64xf32, #tpu.memory_space<hbm>>) dst(%arg6 : memref<128x64xf32, #tpu.memory_space<vmem>>)
      %parallel_loop3A = arith.constant 0 : i32
      %parallel_loop3A_68 = arith.constant 128 : i32
      %parallel_loop3A_69 = arith.constant 1 : i32
      scf.for %parallel_loop3A_233 = %parallel_loop3A to %parallel_loop3A_68 step %parallel_loop3A_69  : i32 {
        %parallel_loop3A_234 = arith.index_cast %parallel_loop3A_233 : i32 to index
        %parallel_loop3A_235 = arith.constant 0 : index
        %parallel_loop3A_236 = tpu.vector_load %arg6[%parallel_loop3A_234, %parallel_loop3A_235] {strides = array<i32>} : memref<128x64xf32, #tpu.memory_space<vmem>>, vector<1x16xf32>,
        %parallel_loop3A_237 = vector.shape_cast %parallel_loop3A_236 : vector<1x16xf32> to vector<16xf32>
        %parallel_loop3A_238 = arith.constant 8.000000e+00 : f32
        %parallel_loop3A_239 = vector.broadcast %parallel_loop3A_238 : f32 to vector<16xf32>
        %parallel_loop3A_240 = arith.mulf %parallel_loop3A_237, %parallel_loop3A_239 : vector<16xf32>
        %parallel_loop3A_241 = arith.index_cast %parallel_loop3A_233 : i32 to index
        %parallel_loop3A_242 = arith.constant 0 : index
        %parallel_loop3A_243 = tpu.vector_load %arg6[%parallel_loop3A_241, %parallel_loop3A_242] {strides = array<i32>} : memref<128x64xf32, #tpu.memory_space<vmem>>, vector<1x16xf32>,
        %parallel_loop3A_244 = vector.shape_cast %parallel_loop3A_243 : vector<1x16xf32> to vector<16xf32>
        %parallel_loop3A_245 = vector.shape_cast %parallel_loop3A_240 : vector<16xf32> to vector<1x16xf32>
        tpu.vector_store %arg6[%parallel_loop3A_241, %parallel_loop3A_242], %parallel_loop3A_245 {strides = array<i32>} : memref<128x64xf32, #tpu.memory_space<vmem>>, vector<1x16xf32>,
        %parallel_loop3A_246 = arith.index_cast %parallel_loop3A_233 : i32 to index
        %parallel_loop3A_247 = arith.constant 16 : index
        %parallel_loop3A_248 = tpu.vector_load %arg6[%parallel_loop3A_246, %parallel_loop3A_247] {strides = array<i32>} : memref<128x64xf32, #tpu.memory_space<vmem>>, vector<1x16xf32>,
        %parallel_loop3A_249 = vector.shape_cast %parallel_loop3A_248 : vector<1x16xf32> to vector<16xf32>
        %parallel_loop3A_250 = arith.constant 8.000000e+00 : f32
        %parallel_loop3A_251 = vector.broadcast %parallel_loop3A_250 : f32 to vector<16xf32>
        %parallel_loop3A_252 = arith.mulf %parallel_loop3A_249, %parallel_loop3A_251 : vector<16xf32>
        %parallel_loop3A_253 = arith.index_cast %parallel_loop3A_233 : i32 to index
        %parallel_loop3A_254 = arith.constant 16 : index
        %parallel_loop3A_255 = tpu.vector_load %arg6[%parallel_loop3A_253, %parallel_loop3A_254] {strides = array<i32>} : memref<128x64xf32, #tpu.memory_space<vmem>>, vector<1x16xf32>,
        %parallel_loop3A_256 = vector.shape_cast %parallel_loop3A_255 : vector<1x16xf32> to vector<16xf32>
        %parallel_loop3A_257 = vector.shape_cast %parallel_loop3A_252 : vector<16xf32> to vector<1x16xf32>
        tpu.vector_store %arg6[%parallel_loop3A_253, %parallel_loop3A_254], %parallel_loop3A_257 {strides = array<i32>} : memref<128x64xf32, #tpu.memory_space<vmem>>, vector<1x16xf32>,
        %parallel_loop3A_258 = arith.index_cast %parallel_loop3A_233 : i32 to index
        %parallel_loop3A_259 = arith.constant 32 : index
        %parallel_loop3A_260 = tpu.vector_load %arg6[%parallel_loop3A_258, %parallel_loop3A_259] {strides = array<i32>} : memref<128x64xf32, #tpu.memory_space<vmem>>, vector<1x16xf32>,
        %parallel_loop3A_261 = vector.shape_cast %parallel_loop3A_260 : vector<1x16xf32> to vector<16xf32>
        %parallel_loop3A_262 = arith.constant 8.000000e+00 : f32
        %parallel_loop3A_263 = vector.broadcast %parallel_loop3A_262 : f32 to vector<16xf32>
        %parallel_loop3A_264 = arith.mulf %parallel_loop3A_261, %parallel_loop3A_263 : vector<16xf32>
        %parallel_loop3A_265 = arith.index_cast %parallel_loop3A_233 : i32 to index
        %parallel_loop3A_266 = arith.constant 32 : index
        %parallel_loop3A_267 = tpu.vector_load %arg6[%parallel_loop3A_265, %parallel_loop3A_266] {strides = array<i32>} : memref<128x64xf32, #tpu.memory_space<vmem>>, vector<1x16xf32>,
        %parallel_loop3A_268 = vector.shape_cast %parallel_loop3A_267 : vector<1x16xf32> to vector<16xf32>
        %parallel_loop3A_269 = vector.shape_cast %parallel_loop3A_264 : vector<16xf32> to vector<1x16xf32>
        tpu.vector_store %arg6[%parallel_loop3A_265, %parallel_loop3A_266], %parallel_loop3A_269 {strides = array<i32>} : memref<128x64xf32, #tpu.memory_space<vmem>>, vector<1x16xf32>,
        %parallel_loop3A_270 = arith.index_cast %parallel_loop3A_233 : i32 to index
        %parallel_loop3A_271 = arith.constant 48 : index
        %parallel_loop3A_272 = tpu.vector_load %arg6[%parallel_loop3A_270, %parallel_loop3A_271] {strides = array<i32>} : memref<128x64xf32, #tpu.memory_space<vmem>>, vector<1x16xf32>,
        %parallel_loop3A_273 = vector.shape_cast %parallel_loop3A_272 : vector<1x16xf32> to vector<16xf32>
        %parallel_loop3A_274 = arith.constant 8.000000e+00 : f32
        %parallel_loop3A_275 = vector.broadcast %parallel_loop3A_274 : f32 to vector<16xf32>
        %parallel_loop3A_276 = arith.mulf %parallel_loop3A_273, %parallel_loop3A_275 : vector<16xf32>
        %parallel_loop3A_277 = arith.index_cast %parallel_loop3A_233 : i32 to index
        %parallel_loop3A_278 = arith.constant 48 : index
        %parallel_loop3A_279 = tpu.vector_load %arg6[%parallel_loop3A_277, %parallel_loop3A_278] {strides = array<i32>} : memref<128x64xf32, #tpu.memory_space<vmem>>, vector<1x16xf32>,
        %parallel_loop3A_280 = vector.shape_cast %parallel_loop3A_279 : vector<1x16xf32> to vector<16xf32>
        %parallel_loop3A_281 = vector.shape_cast %parallel_loop3A_276 : vector<16xf32> to vector<1x16xf32>
        tpu.vector_store %arg6[%parallel_loop3A_277, %parallel_loop3A_278], %parallel_loop3A_281 {strides = array<i32>} : memref<128x64xf32, #tpu.memory_space<vmem>>, vector<1x16xf32>,
      } {sc.loop_unroll_factor = 4 : i64, sc.parallel_access}
      %mul3A_70 = arith.constant 128 : i32
      %mul3A_71 = arith.muli %add3A_60, %mul3A_70 : i32
      %add3A_72 = arith.addi %mul3A_2, %mul3A_71 : i32
      %dma_start3A_73 = arith.constant 0 : i32
      %dma_start3A_74 = tpu.memref_slice %arg4[%add3A_72, %dma_start3A_73] : memref<204800x64xf32, #tpu.memory_space<hbm>> -> memref<128x64xf32, #tpu.memory_space<hbm>>
      %dma_start3A_75 = arith.constant 0 : i32
      %dma_start3A_76 = tpu.memref_slice %arg4[%add3A_72, %dma_start3A_75] : memref<204800x64xf32, #tpu.memory_space<hbm>> -> memref<128x64xf32, #tpu.memory_space<hbm>>
      tpu.enqueue_dma source(%arg6 : memref<128x64xf32, #tpu.memory_space<vmem>>) target(%dma_start3A_76 : memref<128x64xf32, #tpu.memory_space<hbm>>) target_semaphore(%arg16 : memref<!tpu.dma_semaphore, #tpu.memory_space<semaphore_mem>>)
      %add3A_77 = arith.constant 5 : i32
      %add3A_78 = arith.addi %add3A_60, %add3A_77 : i32
      %sub3A = arith.constant 1 : i32
      %sub3A_79 = arith.subi %add3A_78, %sub3A : i32
      %ge3A = arith.constant 1 : i32
      %ge3A_80 = arith.cmpi sge, %add3A_60, %ge3A : i32
      %lt3A = arith.constant 50 : i32
      %lt3A_81 = arith.cmpi slt, %sub3A_79, %lt3A : i32
      %and3A = arith.andi %ge3A_80, %lt3A_81 : i1
      %convert_element_type3A = arith.extui %and3A : i1 to i32
      %cond3A = arith.constant 0 : i32
      %cond3A_82 = arith.cmpi ne, %convert_element_type3A, %cond3A : i32
      scf.if %cond3A_82 {
        %dma_wait3A_233 = arith.constant 0 : i32
        %dma_wait3A_234 = tpu.memref_slice %arg4[%mul3A_2, %dma_wait3A_233] : memref<204800x64xf32, #tpu.memory_space<hbm>> -> memref<128x64xf32, #tpu.memory_space<hbm>>
        %dma_wait3A_235 = arith.constant 0 : i32
        %dma_wait3A_236 = tpu.memref_slice %arg4[%mul3A_2, %dma_wait3A_235] : memref<204800x64xf32, #tpu.memory_space<hbm>> -> memref<128x64xf32, #tpu.memory_space<hbm>>
        tpu.wait_dma2 semaphore(%arg20 : memref<!tpu.dma_semaphore, #tpu.memory_space<semaphore_mem>>) src(%arg10 : memref<128x64xf32, #tpu.memory_space<vmem>>) dst(%dma_wait3A_236 : memref<128x64xf32, #tpu.memory_space<hbm>>)
      } else {
      }
      %lt3A_83 = arith.constant 50 : i32
      %lt3A_84 = arith.cmpi slt, %sub3A_79, %lt3A_83 : i32
      %convert_element_type3A_85 = arith.extui %lt3A_84 : i1 to i32
      %cond3A_86 = arith.constant 0 : i32
      %cond3A_87 = arith.cmpi ne, %convert_element_type3A_85, %cond3A_86 : i32
      scf.if %cond3A_87 {
        %dma_start3A_233 = arith.constant 0 : i32
        %dma_start3A_234 = tpu.memref_slice %arg5[%sub3A_79, %dma_start3A_233] : memref<50x128xi32, #tpu.memory_space<vmem>> -> memref<1x128xi32, #tpu.memory_space<vmem>>
        %dma_start3A_235 = tpu.memref_squeeze %dma_start3A_234 : memref<1x128xi32, #tpu.memory_space<vmem>> -> memref<128xi32, #tpu.memory_space<vmem>>
        %dma_start3A_236 = arith.constant 0 : i32
        %dma_start3A_237 = arith.constant 0 : i32
        %dma_start3A_238 = tpu.memref_slice %arg3[%dma_start3A_236, %dma_start3A_237] : memref<1007616x64xf32, #tpu.memory_space<hbm>> -> memref<1007616x64xf32, #tpu.memory_space<hbm>>
        tpu.enqueue_indirect_dma source(%dma_start3A_238 : memref<1007616x64xf32, #tpu.memory_space<hbm>>) target(%arg10 : memref<128x64xf32, #tpu.memory_space<vmem>>) offsets(%dma_start3A_235 : memref<128xi32, #tpu.memory_space<vmem>>) semaphore(%arg15 : memref<!tpu.dma_semaphore, #tpu.memory_space<semaphore_mem>>)
      } else {
      }
      %add3A_88 = arith.constant 1 : i32
      %add3A_89 = arith.addi %mul3A_58, %add3A_88 : i32
      %dma_wait3A_90 = arith.constant 0 : i32
      %dma_wait3A_91 = arith.constant 0 : i32
      %dma_wait3A_92 = tpu.memref_slice %arg5[%dma_wait3A_90, %dma_wait3A_91] : memref<50x128xi32, #tpu.memory_space<vmem>> -> memref<1x128xi32, #tpu.memory_space<vmem>>
      %dma_wait3A_93 = tpu.memref_squeeze %dma_wait3A_92 : memref<1x128xi32, #tpu.memory_space<vmem>> -> memref<128xi32, #tpu.memory_space<vmem>>
      %dma_wait3A_94 = arith.constant 0 : i32
      %dma_wait3A_95 = arith.constant 0 : i32
      %dma_wait3A_96 = tpu.memref_slice %arg3[%dma_wait3A_94, %dma_wait3A_95] : memref<1007616x64xf32, #tpu.memory_space<hbm>> -> memref<1007616x64xf32, #tpu.memory_space<hbm>>
      tpu.wait_indirect_dma semaphore(%arg12 : memref<!tpu.dma_semaphore, #tpu.memory_space<semaphore_mem>>) src(%dma_wait3A_96 : memref<1007616x64xf32, #tpu.memory_space<hbm>>) dst(%arg7 : memref<128x64xf32, #tpu.memory_space<vmem>>)
      %parallel_loop3A_97 = arith.constant 0 : i32
      %parallel_loop3A_98 = arith.constant 128 : i32
      %parallel_loop3A_99 = arith.constant 1 : i32
      scf.for %parallel_loop3A_233 = %parallel_loop3A_97 to %parallel_loop3A_98 step %parallel_loop3A_99  : i32 {
        %parallel_loop3A_234 = arith.index_cast %parallel_loop3A_233 : i32 to index
        %parallel_loop3A_235 = arith.constant 0 : index
        %parallel_loop3A_236 = tpu.vector_load %arg7[%parallel_loop3A_234, %parallel_loop3A_235] {strides = array<i32>} : memref<128x64xf32, #tpu.memory_space<vmem>>, vector<1x16xf32>,
        %parallel_loop3A_237 = vector.shape_cast %parallel_loop3A_236 : vector<1x16xf32> to vector<16xf32>
        %parallel_loop3A_238 = arith.constant 8.000000e+00 : f32
        %parallel_loop3A_239 = vector.broadcast %parallel_loop3A_238 : f32 to vector<16xf32>
        %parallel_loop3A_240 = arith.mulf %parallel_loop3A_237, %parallel_loop3A_239 : vector<16xf32>
        %parallel_loop3A_241 = arith.index_cast %parallel_loop3A_233 : i32 to index
        %parallel_loop3A_242 = arith.constant 0 : index
        %parallel_loop3A_243 = tpu.vector_load %arg7[%parallel_loop3A_241, %parallel_loop3A_242] {strides = array<i32>} : memref<128x64xf32, #tpu.memory_space<vmem>>, vector<1x16xf32>,
        %parallel_loop3A_244 = vector.shape_cast %parallel_loop3A_243 : vector<1x16xf32> to vector<16xf32>
        %parallel_loop3A_245 = vector.shape_cast %parallel_loop3A_240 : vector<16xf32> to vector<1x16xf32>
        tpu.vector_store %arg7[%parallel_loop3A_241, %parallel_loop3A_242], %parallel_loop3A_245 {strides = array<i32>} : memref<128x64xf32, #tpu.memory_space<vmem>>, vector<1x16xf32>,
        %parallel_loop3A_246 = arith.index_cast %parallel_loop3A_233 : i32 to index
        %parallel_loop3A_247 = arith.constant 16 : index
        %parallel_loop3A_248 = tpu.vector_load %arg7[%parallel_loop3A_246, %parallel_loop3A_247] {strides = array<i32>} : memref<128x64xf32, #tpu.memory_space<vmem>>, vector<1x16xf32>,
        %parallel_loop3A_249 = vector.shape_cast %parallel_loop3A_248 : vector<1x16xf32> to vector<16xf32>
        %parallel_loop3A_250 = arith.constant 8.000000e+00 : f32
        %parallel_loop3A_251 = vector.broadcast %parallel_loop3A_250 : f32 to vector<16xf32>
        %parallel_loop3A_252 = arith.mulf %parallel_loop3A_249, %parallel_loop3A_251 : vector<16xf32>
        %parallel_loop3A_253 = arith.index_cast %parallel_loop3A_233 : i32 to index
        %parallel_loop3A_254 = arith.constant 16 : index
        %parallel_loop3A_255 = tpu.vector_load %arg7[%parallel_loop3A_253, %parallel_loop3A_254] {strides = array<i32>} : memref<128x64xf32, #tpu.memory_space<vmem>>, vector<1x16xf32>,
        %parallel_loop3A_256 = vector.shape_cast %parallel_loop3A_255 : vector<1x16xf32> to vector<16xf32>
        %parallel_loop3A_257 = vector.shape_cast %parallel_loop3A_252 : vector<16xf32> to vector<1x16xf32>
        tpu.vector_store %arg7[%parallel_loop3A_253, %parallel_loop3A_254], %parallel_loop3A_257 {strides = array<i32>} : memref<128x64xf32, #tpu.memory_space<vmem>>, vector<1x16xf32>,
        %parallel_loop3A_258 = arith.index_cast %parallel_loop3A_233 : i32 to index
        %parallel_loop3A_259 = arith.constant 32 : index
        %parallel_loop3A_260 = tpu.vector_load %arg7[%parallel_loop3A_258, %parallel_loop3A_259] {strides = array<i32>} : memref<128x64xf32, #tpu.memory_space<vmem>>, vector<1x16xf32>,
        %parallel_loop3A_261 = vector.shape_cast %parallel_loop3A_260 : vector<1x16xf32> to vector<16xf32>
        %parallel_loop3A_262 = arith.constant 8.000000e+00 : f32
        %parallel_loop3A_263 = vector.broadcast %parallel_loop3A_262 : f32 to vector<16xf32>
        %parallel_loop3A_264 = arith.mulf %parallel_loop3A_261, %parallel_loop3A_263 : vector<16xf32>
        %parallel_loop3A_265 = arith.index_cast %parallel_loop3A_233 : i32 to index
        %parallel_loop3A_266 = arith.constant 32 : index
        %parallel_loop3A_267 = tpu.vector_load %arg7[%parallel_loop3A_265, %parallel_loop3A_266] {strides = array<i32>} : memref<128x64xf32, #tpu.memory_space<vmem>>, vector<1x16xf32>,
        %parallel_loop3A_268 = vector.shape_cast %parallel_loop3A_267 : vector<1x16xf32> to vector<16xf32>
        %parallel_loop3A_269 = vector.shape_cast %parallel_loop3A_264 : vector<16xf32> to vector<1x16xf32>
        tpu.vector_store %arg7[%parallel_loop3A_265, %parallel_loop3A_266], %parallel_loop3A_269 {strides = array<i32>} : memref<128x64xf32, #tpu.memory_space<vmem>>, vector<1x16xf32>,
        %parallel_loop3A_270 = arith.index_cast %parallel_loop3A_233 : i32 to index
        %parallel_loop3A_271 = arith.constant 48 : index
        %parallel_loop3A_272 = tpu.vector_load %arg7[%parallel_loop3A_270, %parallel_loop3A_271] {strides = array<i32>} : memref<128x64xf32, #tpu.memory_space<vmem>>, vector<1x16xf32>,
        %parallel_loop3A_273 = vector.shape_cast %parallel_loop3A_272 : vector<1x16xf32> to vector<16xf32>
        %parallel_loop3A_274 = arith.constant 8.000000e+00 : f32
        %parallel_loop3A_275 = vector.broadcast %parallel_loop3A_274 : f32 to vector<16xf32>
        %parallel_loop3A_276 = arith.mulf %parallel_loop3A_273, %parallel_loop3A_275 : vector<16xf32>
        %parallel_loop3A_277 = arith.index_cast %parallel_loop3A_233 : i32 to index
        %parallel_loop3A_278 = arith.constant 48 : index
        %parallel_loop3A_279 = tpu.vector_load %arg7[%parallel_loop3A_277, %parallel_loop3A_278] {strides = array<i32>} : memref<128x64xf32, #tpu.memory_space<vmem>>, vector<1x16xf32>,
        %parallel_loop3A_280 = vector.shape_cast %parallel_loop3A_279 : vector<1x16xf32> to vector<16xf32>
        %parallel_loop3A_281 = vector.shape_cast %parallel_loop3A_276 : vector<16xf32> to vector<1x16xf32>
        tpu.vector_store %arg7[%parallel_loop3A_277, %parallel_loop3A_278], %parallel_loop3A_281 {strides = array<i32>} : memref<128x64xf32, #tpu.memory_space<vmem>>, vector<1x16xf32>,
      } {sc.loop_unroll_factor = 4 : i64, sc.parallel_access}
      %mul3A_100 = arith.constant 128 : i32
      %mul3A_101 = arith.muli %add3A_89, %mul3A_100 : i32
      %add3A_102 = arith.addi %mul3A_2, %mul3A_101 : i32
      %dma_start3A_103 = arith.constant 0 : i32
      %dma_start3A_104 = tpu.memref_slice %arg4[%add3A_102, %dma_start3A_103] : memref<204800x64xf32, #tpu.memory_space<hbm>> -> memref<128x64xf32, #tpu.memory_space<hbm>>
      %dma_start3A_105 = arith.constant 0 : i32
      %dma_start3A_106 = tpu.memref_slice %arg4[%add3A_102, %dma_start3A_105] : memref<204800x64xf32, #tpu.memory_space<hbm>> -> memref<128x64xf32, #tpu.memory_space<hbm>>
      tpu.enqueue_dma source(%arg7 : memref<128x64xf32, #tpu.memory_space<vmem>>) target(%dma_start3A_106 : memref<128x64xf32, #tpu.memory_space<hbm>>) target_semaphore(%arg17 : memref<!tpu.dma_semaphore, #tpu.memory_space<semaphore_mem>>)
      %add3A_107 = arith.constant 5 : i32
      %add3A_108 = arith.addi %add3A_89, %add3A_107 : i32
      %sub3A_109 = arith.constant 1 : i32
      %sub3A_110 = arith.subi %add3A_108, %sub3A_109 : i32
      %ge3A_111 = arith.constant 1 : i32
      %ge3A_112 = arith.cmpi sge, %add3A_89, %ge3A_111 : i32
      %lt3A_113 = arith.constant 50 : i32
      %lt3A_114 = arith.cmpi slt, %sub3A_110, %lt3A_113 : i32
      %and3A_115 = arith.andi %ge3A_112, %lt3A_114 : i1
      %convert_element_type3A_116 = arith.extui %and3A_115 : i1 to i32
      %cond3A_117 = arith.constant 0 : i32
      %cond3A_118 = arith.cmpi ne, %convert_element_type3A_116, %cond3A_117 : i32
      scf.if %cond3A_118 {
        %dma_wait3A_233 = arith.constant 0 : i32
        %dma_wait3A_234 = tpu.memref_slice %arg4[%mul3A_2, %dma_wait3A_233] : memref<204800x64xf32, #tpu.memory_space<hbm>> -> memref<128x64xf32, #tpu.memory_space<hbm>>
        %dma_wait3A_235 = arith.constant 0 : i32
        %dma_wait3A_236 = tpu.memref_slice %arg4[%mul3A_2, %dma_wait3A_235] : memref<204800x64xf32, #tpu.memory_space<hbm>> -> memref<128x64xf32, #tpu.memory_space<hbm>>
        tpu.wait_dma2 semaphore(%arg16 : memref<!tpu.dma_semaphore, #tpu.memory_space<semaphore_mem>>) src(%arg6 : memref<128x64xf32, #tpu.memory_space<vmem>>) dst(%dma_wait3A_236 : memref<128x64xf32, #tpu.memory_space<hbm>>)
      } else {
      }
      %lt3A_119 = arith.constant 50 : i32
      %lt3A_120 = arith.cmpi slt, %sub3A_110, %lt3A_119 : i32
      %convert_element_type3A_121 = arith.extui %lt3A_120 : i1 to i32
      %cond3A_122 = arith.constant 0 : i32
      %cond3A_123 = arith.cmpi ne, %convert_element_type3A_121, %cond3A_122 : i32
      scf.if %cond3A_123 {
        %dma_start3A_233 = arith.constant 0 : i32
        %dma_start3A_234 = tpu.memref_slice %arg5[%sub3A_110, %dma_start3A_233] : memref<50x128xi32, #tpu.memory_space<vmem>> -> memref<1x128xi32, #tpu.memory_space<vmem>>
        %dma_start3A_235 = tpu.memref_squeeze %dma_start3A_234 : memref<1x128xi32, #tpu.memory_space<vmem>> -> memref<128xi32, #tpu.memory_space<vmem>>
        %dma_start3A_236 = arith.constant 0 : i32
        %dma_start3A_237 = arith.constant 0 : i32
        %dma_start3A_238 = tpu.memref_slice %arg3[%dma_start3A_236, %dma_start3A_237] : memref<1007616x64xf32, #tpu.memory_space<hbm>> -> memref<1007616x64xf32, #tpu.memory_space<hbm>>
        tpu.enqueue_indirect_dma source(%dma_start3A_238 : memref<1007616x64xf32, #tpu.memory_space<hbm>>) target(%arg6 : memref<128x64xf32, #tpu.memory_space<vmem>>) offsets(%dma_start3A_235 : memref<128xi32, #tpu.memory_space<vmem>>) semaphore(%arg11 : memref<!tpu.dma_semaphore, #tpu.memory_space<semaphore_mem>>)
      } else {
      }
      %add3A_124 = arith.constant 2 : i32
      %add3A_125 = arith.addi %mul3A_58, %add3A_124 : i32
      %dma_wait3A_126 = arith.constant 0 : i32
      %dma_wait3A_127 = arith.constant 0 : i32
      %dma_wait3A_128 = tpu.memref_slice %arg5[%dma_wait3A_126, %dma_wait3A_127] : memref<50x128xi32, #tpu.memory_space<vmem>> -> memref<1x128xi32, #tpu.memory_space<vmem>>
      %dma_wait3A_129 = tpu.memref_squeeze %dma_wait3A_128 : memref<1x128xi32, #tpu.memory_space<vmem>> -> memref<128xi32, #tpu.memory_space<vmem>>
      %dma_wait3A_130 = arith.constant 0 : i32
      %dma_wait3A_131 = arith.constant 0 : i32
      %dma_wait3A_132 = tpu.memref_slice %arg3[%dma_wait3A_130, %dma_wait3A_131] : memref<1007616x64xf32, #tpu.memory_space<hbm>> -> memref<1007616x64xf32, #tpu.memory_space<hbm>>
      tpu.wait_indirect_dma semaphore(%arg13 : memref<!tpu.dma_semaphore, #tpu.memory_space<semaphore_mem>>) src(%dma_wait3A_132 : memref<1007616x64xf32, #tpu.memory_space<hbm>>) dst(%arg8 : memref<128x64xf32, #tpu.memory_space<vmem>>)
      %parallel_loop3A_133 = arith.constant 0 : i32
      %parallel_loop3A_134 = arith.constant 128 : i32
      %parallel_loop3A_135 = arith.constant 1 : i32
      scf.for %parallel_loop3A_233 = %parallel_loop3A_133 to %parallel_loop3A_134 step %parallel_loop3A_135  : i32 {
        %parallel_loop3A_234 = arith.index_cast %parallel_loop3A_233 : i32 to index
        %parallel_loop3A_235 = arith.constant 0 : index
        %parallel_loop3A_236 = tpu.vector_load %arg8[%parallel_loop3A_234, %parallel_loop3A_235] {strides = array<i32>} : memref<128x64xf32, #tpu.memory_space<vmem>>, vector<1x16xf32>,
        %parallel_loop3A_237 = vector.shape_cast %parallel_loop3A_236 : vector<1x16xf32> to vector<16xf32>
        %parallel_loop3A_238 = arith.constant 8.000000e+00 : f32
        %parallel_loop3A_239 = vector.broadcast %parallel_loop3A_238 : f32 to vector<16xf32>
        %parallel_loop3A_240 = arith.mulf %parallel_loop3A_237, %parallel_loop3A_239 : vector<16xf32>
        %parallel_loop3A_241 = arith.index_cast %parallel_loop3A_233 : i32 to index
        %parallel_loop3A_242 = arith.constant 0 : index
        %parallel_loop3A_243 = tpu.vector_load %arg8[%parallel_loop3A_241, %parallel_loop3A_242] {strides = array<i32>} : memref<128x64xf32, #tpu.memory_space<vmem>>, vector<1x16xf32>,
        %parallel_loop3A_244 = vector.shape_cast %parallel_loop3A_243 : vector<1x16xf32> to vector<16xf32>
        %parallel_loop3A_245 = vector.shape_cast %parallel_loop3A_240 : vector<16xf32> to vector<1x16xf32>
        tpu.vector_store %arg8[%parallel_loop3A_241, %parallel_loop3A_242], %parallel_loop3A_245 {strides = array<i32>} : memref<128x64xf32, #tpu.memory_space<vmem>>, vector<1x16xf32>,
        %parallel_loop3A_246 = arith.index_cast %parallel_loop3A_233 : i32 to index
        %parallel_loop3A_247 = arith.constant 16 : index
        %parallel_loop3A_248 = tpu.vector_load %arg8[%parallel_loop3A_246, %parallel_loop3A_247] {strides = array<i32>} : memref<128x64xf32, #tpu.memory_space<vmem>>, vector<1x16xf32>,
        %parallel_loop3A_249 = vector.shape_cast %parallel_loop3A_248 : vector<1x16xf32> to vector<16xf32>
        %parallel_loop3A_250 = arith.constant 8.000000e+00 : f32
        %parallel_loop3A_251 = vector.broadcast %parallel_loop3A_250 : f32 to vector<16xf32>
        %parallel_loop3A_252 = arith.mulf %parallel_loop3A_249, %parallel_loop3A_251 : vector<16xf32>
        %parallel_loop3A_253 = arith.index_cast %parallel_loop3A_233 : i32 to index
        %parallel_loop3A_254 = arith.constant 16 : index
        %parallel_loop3A_255 = tpu.vector_load %arg8[%parallel_loop3A_253, %parallel_loop3A_254] {strides = array<i32>} : memref<128x64xf32, #tpu.memory_space<vmem>>, vector<1x16xf32>,
        %parallel_loop3A_256 = vector.shape_cast %parallel_loop3A_255 : vector<1x16xf32> to vector<16xf32>
        %parallel_loop3A_257 = vector.shape_cast %parallel_loop3A_252 : vector<16xf32> to vector<1x16xf32>
        tpu.vector_store %arg8[%parallel_loop3A_253, %parallel_loop3A_254], %parallel_loop3A_257 {strides = array<i32>} : memref<128x64xf32, #tpu.memory_space<vmem>>, vector<1x16xf32>,
        %parallel_loop3A_258 = arith.index_cast %parallel_loop3A_233 : i32 to index
        %parallel_loop3A_259 = arith.constant 32 : index
        %parallel_loop3A_260 = tpu.vector_load %arg8[%parallel_loop3A_258, %parallel_loop3A_259] {strides = array<i32>} : memref<128x64xf32, #tpu.memory_space<vmem>>, vector<1x16xf32>,
        %parallel_loop3A_261 = vector.shape_cast %parallel_loop3A_260 : vector<1x16xf32> to vector<16xf32>
        %parallel_loop3A_262 = arith.constant 8.000000e+00 : f32
        %parallel_loop3A_263 = vector.broadcast %parallel_loop3A_262 : f32 to vector<16xf32>
        %parallel_loop3A_264 = arith.mulf %parallel_loop3A_261, %parallel_loop3A_263 : vector<16xf32>
        %parallel_loop3A_265 = arith.index_cast %parallel_loop3A_233 : i32 to index
        %parallel_loop3A_266 = arith.constant 32 : index
        %parallel_loop3A_267 = tpu.vector_load %arg8[%parallel_loop3A_265, %parallel_loop3A_266] {strides = array<i32>} : memref<128x64xf32, #tpu.memory_space<vmem>>, vector<1x16xf32>,
        %parallel_loop3A_268 = vector.shape_cast %parallel_loop3A_267 : vector<1x16xf32> to vector<16xf32>
        %parallel_loop3A_269 = vector.shape_cast %parallel_loop3A_264 : vector<16xf32> to vector<1x16xf32>
        tpu.vector_store %arg8[%parallel_loop3A_265, %parallel_loop3A_266], %parallel_loop3A_269 {strides = array<i32>} : memref<128x64xf32, #tpu.memory_space<vmem>>, vector<1x16xf32>,
        %parallel_loop3A_270 = arith.index_cast %parallel_loop3A_233 : i32 to index
        %parallel_loop3A_271 = arith.constant 48 : index
        %parallel_loop3A_272 = tpu.vector_load %arg8[%parallel_loop3A_270, %parallel_loop3A_271] {strides = array<i32>} : memref<128x64xf32, #tpu.memory_space<vmem>>, vector<1x16xf32>,
        %parallel_loop3A_273 = vector.shape_cast %parallel_loop3A_272 : vector<1x16xf32> to vector<16xf32>
        %parallel_loop3A_274 = arith.constant 8.000000e+00 : f32
        %parallel_loop3A_275 = vector.broadcast %parallel_loop3A_274 : f32 to vector<16xf32>
        %parallel_loop3A_276 = arith.mulf %parallel_loop3A_273, %parallel_loop3A_275 : vector<16xf32>
        %parallel_loop3A_277 = arith.index_cast %parallel_loop3A_233 : i32 to index
        %parallel_loop3A_278 = arith.constant 48 : index
        %parallel_loop3A_279 = tpu.vector_load %arg8[%parallel_loop3A_277, %parallel_loop3A_278] {strides = array<i32>} : memref<128x64xf32, #tpu.memory_space<vmem>>, vector<1x16xf32>,
        %parallel_loop3A_280 = vector.shape_cast %parallel_loop3A_279 : vector<1x16xf32> to vector<16xf32>
        %parallel_loop3A_281 = vector.shape_cast %parallel_loop3A_276 : vector<16xf32> to vector<1x16xf32>
        tpu.vector_store %arg8[%parallel_loop3A_277, %parallel_loop3A_278], %parallel_loop3A_281 {strides = array<i32>} : memref<128x64xf32, #tpu.memory_space<vmem>>, vector<1x16xf32>,
      } {sc.loop_unroll_factor = 4 : i64, sc.parallel_access}
      %mul3A_136 = arith.constant 128 : i32
      %mul3A_137 = arith.muli %add3A_125, %mul3A_136 : i32
      %add3A_138 = arith.addi %mul3A_2, %mul3A_137 : i32
      %dma_start3A_139 = arith.constant 0 : i32
      %dma_start3A_140 = tpu.memref_slice %arg4[%add3A_138, %dma_start3A_139] : memref<204800x64xf32, #tpu.memory_space<hbm>> -> memref<128x64xf32, #tpu.memory_space<hbm>>
      %dma_start3A_141 = arith.constant 0 : i32
      %dma_start3A_142 = tpu.memref_slice %arg4[%add3A_138, %dma_start3A_141] : memref<204800x64xf32, #tpu.memory_space<hbm>> -> memref<128x64xf32, #tpu.memory_space<hbm>>
      tpu.enqueue_dma source(%arg8 : memref<128x64xf32, #tpu.memory_space<vmem>>) target(%dma_start3A_142 : memref<128x64xf32, #tpu.memory_space<hbm>>) target_semaphore(%arg18 : memref<!tpu.dma_semaphore, #tpu.memory_space<semaphore_mem>>)
      %add3A_143 = arith.constant 5 : i32
      %add3A_144 = arith.addi %add3A_125, %add3A_143 : i32
      %sub3A_145 = arith.constant 1 : i32
      %sub3A_146 = arith.subi %add3A_144, %sub3A_145 : i32
      %ge3A_147 = arith.constant 1 : i32
      %ge3A_148 = arith.cmpi sge, %add3A_125, %ge3A_147 : i32
      %lt3A_149 = arith.constant 50 : i32
      %lt3A_150 = arith.cmpi slt, %sub3A_146, %lt3A_149 : i32
      %and3A_151 = arith.andi %ge3A_148, %lt3A_150 : i1
      %convert_element_type3A_152 = arith.extui %and3A_151 : i1 to i32
      %cond3A_153 = arith.constant 0 : i32
      %cond3A_154 = arith.cmpi ne, %convert_element_type3A_152, %cond3A_153 : i32
      scf.if %cond3A_154 {
        %dma_wait3A_233 = arith.constant 0 : i32
        %dma_wait3A_234 = tpu.memref_slice %arg4[%mul3A_2, %dma_wait3A_233] : memref<204800x64xf32, #tpu.memory_space<hbm>> -> memref<128x64xf32, #tpu.memory_space<hbm>>
        %dma_wait3A_235 = arith.constant 0 : i32
        %dma_wait3A_236 = tpu.memref_slice %arg4[%mul3A_2, %dma_wait3A_235] : memref<204800x64xf32, #tpu.memory_space<hbm>> -> memref<128x64xf32, #tpu.memory_space<hbm>>
        tpu.wait_dma2 semaphore(%arg17 : memref<!tpu.dma_semaphore, #tpu.memory_space<semaphore_mem>>) src(%arg7 : memref<128x64xf32, #tpu.memory_space<vmem>>) dst(%dma_wait3A_236 : memref<128x64xf32, #tpu.memory_space<hbm>>)
      } else {
      }
      %lt3A_155 = arith.constant 50 : i32
      %lt3A_156 = arith.cmpi slt, %sub3A_146, %lt3A_155 : i32
      %convert_element_type3A_157 = arith.extui %lt3A_156 : i1 to i32
      %cond3A_158 = arith.constant 0 : i32
      %cond3A_159 = arith.cmpi ne, %convert_element_type3A_157, %cond3A_158 : i32
      scf.if %cond3A_159 {
        %dma_start3A_233 = arith.constant 0 : i32
        %dma_start3A_234 = tpu.memref_slice %arg5[%sub3A_146, %dma_start3A_233] : memref<50x128xi32, #tpu.memory_space<vmem>> -> memref<1x128xi32, #tpu.memory_space<vmem>>
        %dma_start3A_235 = tpu.memref_squeeze %dma_start3A_234 : memref<1x128xi32, #tpu.memory_space<vmem>> -> memref<128xi32, #tpu.memory_space<vmem>>
        %dma_start3A_236 = arith.constant 0 : i32
        %dma_start3A_237 = arith.constant 0 : i32
        %dma_start3A_238 = tpu.memref_slice %arg3[%dma_start3A_236, %dma_start3A_237] : memref<1007616x64xf32, #tpu.memory_space<hbm>> -> memref<1007616x64xf32, #tpu.memory_space<hbm>>
        tpu.enqueue_indirect_dma source(%dma_start3A_238 : memref<1007616x64xf32, #tpu.memory_space<hbm>>) target(%arg7 : memref<128x64xf32, #tpu.memory_space<vmem>>) offsets(%dma_start3A_235 : memref<128xi32, #tpu.memory_space<vmem>>) semaphore(%arg12 : memref<!tpu.dma_semaphore, #tpu.memory_space<semaphore_mem>>)
      } else {
      }
      %add3A_160 = arith.constant 3 : i32
      %add3A_161 = arith.addi %mul3A_58, %add3A_160 : i32
      %dma_wait3A_162 = arith.constant 0 : i32
      %dma_wait3A_163 = arith.constant 0 : i32
      %dma_wait3A_164 = tpu.memref_slice %arg5[%dma_wait3A_162, %dma_wait3A_163] : memref<50x128xi32, #tpu.memory_space<vmem>> -> memref<1x128xi32, #tpu.memory_space<vmem>>
      %dma_wait3A_165 = tpu.memref_squeeze %dma_wait3A_164 : memref<1x128xi32, #tpu.memory_space<vmem>> -> memref<128xi32, #tpu.memory_space<vmem>>
      %dma_wait3A_166 = arith.constant 0 : i32
      %dma_wait3A_167 = arith.constant 0 : i32
      %dma_wait3A_168 = tpu.memref_slice %arg3[%dma_wait3A_166, %dma_wait3A_167] : memref<1007616x64xf32, #tpu.memory_space<hbm>> -> memref<1007616x64xf32, #tpu.memory_space<hbm>>
      tpu.wait_indirect_dma semaphore(%arg14 : memref<!tpu.dma_semaphore, #tpu.memory_space<semaphore_mem>>) src(%dma_wait3A_168 : memref<1007616x64xf32, #tpu.memory_space<hbm>>) dst(%arg9 : memref<128x64xf32, #tpu.memory_space<vmem>>)
      %parallel_loop3A_169 = arith.constant 0 : i32
      %parallel_loop3A_170 = arith.constant 128 : i32
      %parallel_loop3A_171 = arith.constant 1 : i32
      scf.for %parallel_loop3A_233 = %parallel_loop3A_169 to %parallel_loop3A_170 step %parallel_loop3A_171  : i32 {
        %parallel_loop3A_234 = arith.index_cast %parallel_loop3A_233 : i32 to index
        %parallel_loop3A_235 = arith.constant 0 : index
        %parallel_loop3A_236 = tpu.vector_load %arg9[%parallel_loop3A_234, %parallel_loop3A_235] {strides = array<i32>} : memref<128x64xf32, #tpu.memory_space<vmem>>, vector<1x16xf32>,
        %parallel_loop3A_237 = vector.shape_cast %parallel_loop3A_236 : vector<1x16xf32> to vector<16xf32>
        %parallel_loop3A_238 = arith.constant 8.000000e+00 : f32
        %parallel_loop3A_239 = vector.broadcast %parallel_loop3A_238 : f32 to vector<16xf32>
        %parallel_loop3A_240 = arith.mulf %parallel_loop3A_237, %parallel_loop3A_239 : vector<16xf32>
        %parallel_loop3A_241 = arith.index_cast %parallel_loop3A_233 : i32 to index
        %parallel_loop3A_242 = arith.constant 0 : index
        %parallel_loop3A_243 = tpu.vector_load %arg9[%parallel_loop3A_241, %parallel_loop3A_242] {strides = array<i32>} : memref<128x64xf32, #tpu.memory_space<vmem>>, vector<1x16xf32>,
        %parallel_loop3A_244 = vector.shape_cast %parallel_loop3A_243 : vector<1x16xf32> to vector<16xf32>
        %parallel_loop3A_245 = vector.shape_cast %parallel_loop3A_240 : vector<16xf32> to vector<1x16xf32>
        tpu.vector_store %arg9[%parallel_loop3A_241, %parallel_loop3A_242], %parallel_loop3A_245 {strides = array<i32>} : memref<128x64xf32, #tpu.memory_space<vmem>>, vector<1x16xf32>,
        %parallel_loop3A_246 = arith.index_cast %parallel_loop3A_233 : i32 to index
        %parallel_loop3A_247 = arith.constant 16 : index
        %parallel_loop3A_248 = tpu.vector_load %arg9[%parallel_loop3A_246, %parallel_loop3A_247] {strides = array<i32>} : memref<128x64xf32, #tpu.memory_space<vmem>>, vector<1x16xf32>,
        %parallel_loop3A_249 = vector.shape_cast %parallel_loop3A_248 : vector<1x16xf32> to vector<16xf32>
        %parallel_loop3A_250 = arith.constant 8.000000e+00 : f32
        %parallel_loop3A_251 = vector.broadcast %parallel_loop3A_250 : f32 to vector<16xf32>
        %parallel_loop3A_252 = arith.mulf %parallel_loop3A_249, %parallel_loop3A_251 : vector<16xf32>
        %parallel_loop3A_253 = arith.index_cast %parallel_loop3A_233 : i32 to index
        %parallel_loop3A_254 = arith.constant 16 : index
        %parallel_loop3A_255 = tpu.vector_load %arg9[%parallel_loop3A_253, %parallel_loop3A_254] {strides = array<i32>} : memref<128x64xf32, #tpu.memory_space<vmem>>, vector<1x16xf32>,
        %parallel_loop3A_256 = vector.shape_cast %parallel_loop3A_255 : vector<1x16xf32> to vector<16xf32>
        %parallel_loop3A_257 = vector.shape_cast %parallel_loop3A_252 : vector<16xf32> to vector<1x16xf32>
        tpu.vector_store %arg9[%parallel_loop3A_253, %parallel_loop3A_254], %parallel_loop3A_257 {strides = array<i32>} : memref<128x64xf32, #tpu.memory_space<vmem>>, vector<1x16xf32>,
        %parallel_loop3A_258 = arith.index_cast %parallel_loop3A_233 : i32 to index
        %parallel_loop3A_259 = arith.constant 32 : index
        %parallel_loop3A_260 = tpu.vector_load %arg9[%parallel_loop3A_258, %parallel_loop3A_259] {strides = array<i32>} : memref<128x64xf32, #tpu.memory_space<vmem>>, vector<1x16xf32>,
        %parallel_loop3A_261 = vector.shape_cast %parallel_loop3A_260 : vector<1x16xf32> to vector<16xf32>
        %parallel_loop3A_262 = arith.constant 8.000000e+00 : f32
        %parallel_loop3A_263 = vector.broadcast %parallel_loop3A_262 : f32 to vector<16xf32>
        %parallel_loop3A_264 = arith.mulf %parallel_loop3A_261, %parallel_loop3A_263 : vector<16xf32>
        %parallel_loop3A_265 = arith.index_cast %parallel_loop3A_233 : i32 to index
        %parallel_loop3A_266 = arith.constant 32 : index
        %parallel_loop3A_267 = tpu.vector_load %arg9[%parallel_loop3A_265, %parallel_loop3A_266] {strides = array<i32>} : memref<128x64xf32, #tpu.memory_space<vmem>>, vector<1x16xf32>,
        %parallel_loop3A_268 = vector.shape_cast %parallel_loop3A_267 : vector<1x16xf32> to vector<16xf32>
        %parallel_loop3A_269 = vector.shape_cast %parallel_loop3A_264 : vector<16xf32> to vector<1x16xf32>
        tpu.vector_store %arg9[%parallel_loop3A_265, %parallel_loop3A_266], %parallel_loop3A_269 {strides = array<i32>} : memref<128x64xf32, #tpu.memory_space<vmem>>, vector<1x16xf32>,
        %parallel_loop3A_270 = arith.index_cast %parallel_loop3A_233 : i32 to index
        %parallel_loop3A_271 = arith.constant 48 : index
        %parallel_loop3A_272 = tpu.vector_load %arg9[%parallel_loop3A_270, %parallel_loop3A_271] {strides = array<i32>} : memref<128x64xf32, #tpu.memory_space<vmem>>, vector<1x16xf32>,
        %parallel_loop3A_273 = vector.shape_cast %parallel_loop3A_272 : vector<1x16xf32> to vector<16xf32>
        %parallel_loop3A_274 = arith.constant 8.000000e+00 : f32
        %parallel_loop3A_275 = vector.broadcast %parallel_loop3A_274 : f32 to vector<16xf32>
        %parallel_loop3A_276 = arith.mulf %parallel_loop3A_273, %parallel_loop3A_275 : vector<16xf32>
        %parallel_loop3A_277 = arith.index_cast %parallel_loop3A_233 : i32 to index
        %parallel_loop3A_278 = arith.constant 48 : index
        %parallel_loop3A_279 = tpu.vector_load %arg9[%parallel_loop3A_277, %parallel_loop3A_278] {strides = array<i32>} : memref<128x64xf32, #tpu.memory_space<vmem>>, vector<1x16xf32>,
        %parallel_loop3A_280 = vector.shape_cast %parallel_loop3A_279 : vector<1x16xf32> to vector<16xf32>
        %parallel_loop3A_281 = vector.shape_cast %parallel_loop3A_276 : vector<16xf32> to vector<1x16xf32>
        tpu.vector_store %arg9[%parallel_loop3A_277, %parallel_loop3A_278], %parallel_loop3A_281 {strides = array<i32>} : memref<128x64xf32, #tpu.memory_space<vmem>>, vector<1x16xf32>,
      } {sc.loop_unroll_factor = 4 : i64, sc.parallel_access}
      %mul3A_172 = arith.constant 128 : i32
      %mul3A_173 = arith.muli %add3A_161, %mul3A_172 : i32
      %add3A_174 = arith.addi %mul3A_2, %mul3A_173 : i32
      %dma_start3A_175 = arith.constant 0 : i32
      %dma_start3A_176 = tpu.memref_slice %arg4[%add3A_174, %dma_start3A_175] : memref<204800x64xf32, #tpu.memory_space<hbm>> -> memref<128x64xf32, #tpu.memory_space<hbm>>
      %dma_start3A_177 = arith.constant 0 : i32
      %dma_start3A_178 = tpu.memref_slice %arg4[%add3A_174, %dma_start3A_177] : memref<204800x64xf32, #tpu.memory_space<hbm>> -> memref<128x64xf32, #tpu.memory_space<hbm>>
      tpu.enqueue_dma source(%arg9 : memref<128x64xf32, #tpu.memory_space<vmem>>) target(%dma_start3A_178 : memref<128x64xf32, #tpu.memory_space<hbm>>) target_semaphore(%arg19 : memref<!tpu.dma_semaphore, #tpu.memory_space<semaphore_mem>>)
      %add3A_179 = arith.constant 5 : i32
      %add3A_180 = arith.addi %add3A_161, %add3A_179 : i32
      %sub3A_181 = arith.constant 1 : i32
      %sub3A_182 = arith.subi %add3A_180, %sub3A_181 : i32
      %ge3A_183 = arith.constant 1 : i32
      %ge3A_184 = arith.cmpi sge, %add3A_161, %ge3A_183 : i32
      %lt3A_185 = arith.constant 50 : i32
      %lt3A_186 = arith.cmpi slt, %sub3A_182, %lt3A_185 : i32
      %and3A_187 = arith.andi %ge3A_184, %lt3A_186 : i1
      %convert_element_type3A_188 = arith.extui %and3A_187 : i1 to i32
      %cond3A_189 = arith.constant 0 : i32
      %cond3A_190 = arith.cmpi ne, %convert_element_type3A_188, %cond3A_189 : i32
      scf.if %cond3A_190 {
        %dma_wait3A_233 = arith.constant 0 : i32
        %dma_wait3A_234 = tpu.memref_slice %arg4[%mul3A_2, %dma_wait3A_233] : memref<204800x64xf32, #tpu.memory_space<hbm>> -> memref<128x64xf32, #tpu.memory_space<hbm>>
        %dma_wait3A_235 = arith.constant 0 : i32
        %dma_wait3A_236 = tpu.memref_slice %arg4[%mul3A_2, %dma_wait3A_235] : memref<204800x64xf32, #tpu.memory_space<hbm>> -> memref<128x64xf32, #tpu.memory_space<hbm>>
        tpu.wait_dma2 semaphore(%arg18 : memref<!tpu.dma_semaphore, #tpu.memory_space<semaphore_mem>>) src(%arg8 : memref<128x64xf32, #tpu.memory_space<vmem>>) dst(%dma_wait3A_236 : memref<128x64xf32, #tpu.memory_space<hbm>>)
      } else {
      }
      %lt3A_191 = arith.constant 50 : i32
      %lt3A_192 = arith.cmpi slt, %sub3A_182, %lt3A_191 : i32
      %convert_element_type3A_193 = arith.extui %lt3A_192 : i1 to i32
      %cond3A_194 = arith.constant 0 : i32
      %cond3A_195 = arith.cmpi ne, %convert_element_type3A_193, %cond3A_194 : i32
      scf.if %cond3A_195 {
        %dma_start3A_233 = arith.constant 0 : i32
        %dma_start3A_234 = tpu.memref_slice %arg5[%sub3A_182, %dma_start3A_233] : memref<50x128xi32, #tpu.memory_space<vmem>> -> memref<1x128xi32, #tpu.memory_space<vmem>>
        %dma_start3A_235 = tpu.memref_squeeze %dma_start3A_234 : memref<1x128xi32, #tpu.memory_space<vmem>> -> memref<128xi32, #tpu.memory_space<vmem>>
        %dma_start3A_236 = arith.constant 0 : i32
        %dma_start3A_237 = arith.constant 0 : i32
        %dma_start3A_238 = tpu.memref_slice %arg3[%dma_start3A_236, %dma_start3A_237] : memref<1007616x64xf32, #tpu.memory_space<hbm>> -> memref<1007616x64xf32, #tpu.memory_space<hbm>>
        tpu.enqueue_indirect_dma source(%dma_start3A_238 : memref<1007616x64xf32, #tpu.memory_space<hbm>>) target(%arg8 : memref<128x64xf32, #tpu.memory_space<vmem>>) offsets(%dma_start3A_235 : memref<128xi32, #tpu.memory_space<vmem>>) semaphore(%arg13 : memref<!tpu.dma_semaphore, #tpu.memory_space<semaphore_mem>>)
      } else {
      }
      %add3A_196 = arith.constant 4 : i32
      %add3A_197 = arith.addi %mul3A_58, %add3A_196 : i32
      %dma_wait3A_198 = arith.constant 0 : i32
      %dma_wait3A_199 = arith.constant 0 : i32
      %dma_wait3A_200 = tpu.memref_slice %arg5[%dma_wait3A_198, %dma_wait3A_199] : memref<50x128xi32, #tpu.memory_space<vmem>> -> memref<1x128xi32, #tpu.memory_space<vmem>>
      %dma_wait3A_201 = tpu.memref_squeeze %dma_wait3A_200 : memref<1x128xi32, #tpu.memory_space<vmem>> -> memref<128xi32, #tpu.memory_space<vmem>>
      %dma_wait3A_202 = arith.constant 0 : i32
      %dma_wait3A_203 = arith.constant 0 : i32
      %dma_wait3A_204 = tpu.memref_slice %arg3[%dma_wait3A_202, %dma_wait3A_203] : memref<1007616x64xf32, #tpu.memory_space<hbm>> -> memref<1007616x64xf32, #tpu.memory_space<hbm>>
      tpu.wait_indirect_dma semaphore(%arg15 : memref<!tpu.dma_semaphore, #tpu.memory_space<semaphore_mem>>) src(%dma_wait3A_204 : memref<1007616x64xf32, #tpu.memory_space<hbm>>) dst(%arg10 : memref<128x64xf32, #tpu.memory_space<vmem>>)
      %parallel_loop3A_205 = arith.constant 0 : i32
      %parallel_loop3A_206 = arith.constant 128 : i32
      %parallel_loop3A_207 = arith.constant 1 : i32
      scf.for %parallel_loop3A_233 = %parallel_loop3A_205 to %parallel_loop3A_206 step %parallel_loop3A_207  : i32 {
        %parallel_loop3A_234 = arith.index_cast %parallel_loop3A_233 : i32 to index
        %parallel_loop3A_235 = arith.constant 0 : index
        %parallel_loop3A_236 = tpu.vector_load %arg10[%parallel_loop3A_234, %parallel_loop3A_235] {strides = array<i32>} : memref<128x64xf32, #tpu.memory_space<vmem>>, vector<1x16xf32>,
        %parallel_loop3A_237 = vector.shape_cast %parallel_loop3A_236 : vector<1x16xf32> to vector<16xf32>
        %parallel_loop3A_238 = arith.constant 8.000000e+00 : f32
        %parallel_loop3A_239 = vector.broadcast %parallel_loop3A_238 : f32 to vector<16xf32>
        %parallel_loop3A_240 = arith.mulf %parallel_loop3A_237, %parallel_loop3A_239 : vector<16xf32>
        %parallel_loop3A_241 = arith.index_cast %parallel_loop3A_233 : i32 to index
        %parallel_loop3A_242 = arith.constant 0 : index
        %parallel_loop3A_243 = tpu.vector_load %arg10[%parallel_loop3A_241, %parallel_loop3A_242] {strides = array<i32>} : memref<128x64xf32, #tpu.memory_space<vmem>>, vector<1x16xf32>,
        %parallel_loop3A_244 = vector.shape_cast %parallel_loop3A_243 : vector<1x16xf32> to vector<16xf32>
        %parallel_loop3A_245 = vector.shape_cast %parallel_loop3A_240 : vector<16xf32> to vector<1x16xf32>
        tpu.vector_store %arg10[%parallel_loop3A_241, %parallel_loop3A_242], %parallel_loop3A_245 {strides = array<i32>} : memref<128x64xf32, #tpu.memory_space<vmem>>, vector<1x16xf32>,
        %parallel_loop3A_246 = arith.index_cast %parallel_loop3A_233 : i32 to index
        %parallel_loop3A_247 = arith.constant 16 : index
        %parallel_loop3A_248 = tpu.vector_load %arg10[%parallel_loop3A_246, %parallel_loop3A_247] {strides = array<i32>} : memref<128x64xf32, #tpu.memory_space<vmem>>, vector<1x16xf32>,
        %parallel_loop3A_249 = vector.shape_cast %parallel_loop3A_248 : vector<1x16xf32> to vector<16xf32>
        %parallel_loop3A_250 = arith.constant 8.000000e+00 : f32
        %parallel_loop3A_251 = vector.broadcast %parallel_loop3A_250 : f32 to vector<16xf32>
        %parallel_loop3A_252 = arith.mulf %parallel_loop3A_249, %parallel_loop3A_251 : vector<16xf32>
        %parallel_loop3A_253 = arith.index_cast %parallel_loop3A_233 : i32 to index
        %parallel_loop3A_254 = arith.constant 16 : index
        %parallel_loop3A_255 = tpu.vector_load %arg10[%parallel_loop3A_253, %parallel_loop3A_254] {strides = array<i32>} : memref<128x64xf32, #tpu.memory_space<vmem>>, vector<1x16xf32>,
        %parallel_loop3A_256 = vector.shape_cast %parallel_loop3A_255 : vector<1x16xf32> to vector<16xf32>
        %parallel_loop3A_257 = vector.shape_cast %parallel_loop3A_252 : vector<16xf32> to vector<1x16xf32>
        tpu.vector_store %arg10[%parallel_loop3A_253, %parallel_loop3A_254], %parallel_loop3A_257 {strides = array<i32>} : memref<128x64xf32, #tpu.memory_space<vmem>>, vector<1x16xf32>,
        %parallel_loop3A_258 = arith.index_cast %parallel_loop3A_233 : i32 to index
        %parallel_loop3A_259 = arith.constant 32 : index
        %parallel_loop3A_260 = tpu.vector_load %arg10[%parallel_loop3A_258, %parallel_loop3A_259] {strides = array<i32>} : memref<128x64xf32, #tpu.memory_space<vmem>>, vector<1x16xf32>,
        %parallel_loop3A_261 = vector.shape_cast %parallel_loop3A_260 : vector<1x16xf32> to vector<16xf32>
        %parallel_loop3A_262 = arith.constant 8.000000e+00 : f32
        %parallel_loop3A_263 = vector.broadcast %parallel_loop3A_262 : f32 to vector<16xf32>
        %parallel_loop3A_264 = arith.mulf %parallel_loop3A_261, %parallel_loop3A_263 : vector<16xf32>
        %parallel_loop3A_265 = arith.index_cast %parallel_loop3A_233 : i32 to index
        %parallel_loop3A_266 = arith.constant 32 : index
        %parallel_loop3A_267 = tpu.vector_load %arg10[%parallel_loop3A_265, %parallel_loop3A_266] {strides = array<i32>} : memref<128x64xf32, #tpu.memory_space<vmem>>, vector<1x16xf32>,
        %parallel_loop3A_268 = vector.shape_cast %parallel_loop3A_267 : vector<1x16xf32> to vector<16xf32>
        %parallel_loop3A_269 = vector.shape_cast %parallel_loop3A_264 : vector<16xf32> to vector<1x16xf32>
        tpu.vector_store %arg10[%parallel_loop3A_265, %parallel_loop3A_266], %parallel_loop3A_269 {strides = array<i32>} : memref<128x64xf32, #tpu.memory_space<vmem>>, vector<1x16xf32>,
        %parallel_loop3A_270 = arith.index_cast %parallel_loop3A_233 : i32 to index
        %parallel_loop3A_271 = arith.constant 48 : index
        %parallel_loop3A_272 = tpu.vector_load %arg10[%parallel_loop3A_270, %parallel_loop3A_271] {strides = array<i32>} : memref<128x64xf32, #tpu.memory_space<vmem>>, vector<1x16xf32>,
        %parallel_loop3A_273 = vector.shape_cast %parallel_loop3A_272 : vector<1x16xf32> to vector<16xf32>
        %parallel_loop3A_274 = arith.constant 8.000000e+00 : f32
        %parallel_loop3A_275 = vector.broadcast %parallel_loop3A_274 : f32 to vector<16xf32>
        %parallel_loop3A_276 = arith.mulf %parallel_loop3A_273, %parallel_loop3A_275 : vector<16xf32>
        %parallel_loop3A_277 = arith.index_cast %parallel_loop3A_233 : i32 to index
        %parallel_loop3A_278 = arith.constant 48 : index
        %parallel_loop3A_279 = tpu.vector_load %arg10[%parallel_loop3A_277, %parallel_loop3A_278] {strides = array<i32>} : memref<128x64xf32, #tpu.memory_space<vmem>>, vector<1x16xf32>,
        %parallel_loop3A_280 = vector.shape_cast %parallel_loop3A_279 : vector<1x16xf32> to vector<16xf32>
        %parallel_loop3A_281 = vector.shape_cast %parallel_loop3A_276 : vector<16xf32> to vector<1x16xf32>
        tpu.vector_store %arg10[%parallel_loop3A_277, %parallel_loop3A_278], %parallel_loop3A_281 {strides = array<i32>} : memref<128x64xf32, #tpu.memory_space<vmem>>, vector<1x16xf32>,
      } {sc.loop_unroll_factor = 4 : i64, sc.parallel_access}
      %mul3A_208 = arith.constant 128 : i32
      %mul3A_209 = arith.muli %add3A_197, %mul3A_208 : i32
      %add3A_210 = arith.addi %mul3A_2, %mul3A_209 : i32
      %dma_start3A_211 = arith.constant 0 : i32
      %dma_start3A_212 = tpu.memref_slice %arg4[%add3A_210, %dma_start3A_211] : memref<204800x64xf32, #tpu.memory_space<hbm>> -> memref<128x64xf32, #tpu.memory_space<hbm>>
      %dma_start3A_213 = arith.constant 0 : i32
      %dma_start3A_214 = tpu.memref_slice %arg4[%add3A_210, %dma_start3A_213] : memref<204800x64xf32, #tpu.memory_space<hbm>> -> memref<128x64xf32, #tpu.memory_space<hbm>>
      tpu.enqueue_dma source(%arg10 : memref<128x64xf32, #tpu.memory_space<vmem>>) target(%dma_start3A_214 : memref<128x64xf32, #tpu.memory_space<hbm>>) target_semaphore(%arg20 : memref<!tpu.dma_semaphore, #tpu.memory_space<semaphore_mem>>)
      %add3A_215 = arith.constant 5 : i32
      %add3A_216 = arith.addi %add3A_197, %add3A_215 : i32
      %sub3A_217 = arith.constant 1 : i32
      %sub3A_218 = arith.subi %add3A_216, %sub3A_217 : i32
      %ge3A_219 = arith.constant 1 : i32
      %ge3A_220 = arith.cmpi sge, %add3A_197, %ge3A_219 : i32
      %lt3A_221 = arith.constant 50 : i32
      %lt3A_222 = arith.cmpi slt, %sub3A_218, %lt3A_221 : i32
      %and3A_223 = arith.andi %ge3A_220, %lt3A_222 : i1
      %convert_element_type3A_224 = arith.extui %and3A_223 : i1 to i32
      %cond3A_225 = arith.constant 0 : i32
      %cond3A_226 = arith.cmpi ne, %convert_element_type3A_224, %cond3A_225 : i32
      scf.if %cond3A_226 {
        %dma_wait3A_233 = arith.constant 0 : i32
        %dma_wait3A_234 = tpu.memref_slice %arg4[%mul3A_2, %dma_wait3A_233] : memref<204800x64xf32, #tpu.memory_space<hbm>> -> memref<128x64xf32, #tpu.memory_space<hbm>>
        %dma_wait3A_235 = arith.constant 0 : i32
        %dma_wait3A_236 = tpu.memref_slice %arg4[%mul3A_2, %dma_wait3A_235] : memref<204800x64xf32, #tpu.memory_space<hbm>> -> memref<128x64xf32, #tpu.memory_space<hbm>>
        tpu.wait_dma2 semaphore(%arg19 : memref<!tpu.dma_semaphore, #tpu.memory_space<semaphore_mem>>) src(%arg9 : memref<128x64xf32, #tpu.memory_space<vmem>>) dst(%dma_wait3A_236 : memref<128x64xf32, #tpu.memory_space<hbm>>)
      } else {
      }
      %lt3A_227 = arith.constant 50 : i32
      %lt3A_228 = arith.cmpi slt, %sub3A_218, %lt3A_227 : i32
      %convert_element_type3A_229 = arith.extui %lt3A_228 : i1 to i32
      %cond3A_230 = arith.constant 0 : i32
      %cond3A_231 = arith.cmpi ne, %convert_element_type3A_229, %cond3A_230 : i32
      scf.if %cond3A_231 {
        %dma_start3A_233 = arith.constant 0 : i32
        %dma_start3A_234 = tpu.memref_slice %arg5[%sub3A_218, %dma_start3A_233] : memref<50x128xi32, #tpu.memory_space<vmem>> -> memref<1x128xi32, #tpu.memory_space<vmem>>
        %dma_start3A_235 = tpu.memref_squeeze %dma_start3A_234 : memref<1x128xi32, #tpu.memory_space<vmem>> -> memref<128xi32, #tpu.memory_space<vmem>>
        %dma_start3A_236 = arith.constant 0 : i32
        %dma_start3A_237 = arith.constant 0 : i32
        %dma_start3A_238 = tpu.memref_slice %arg3[%dma_start3A_236, %dma_start3A_237] : memref<1007616x64xf32, #tpu.memory_space<hbm>> -> memref<1007616x64xf32, #tpu.memory_space<hbm>>
        tpu.enqueue_indirect_dma source(%dma_start3A_238 : memref<1007616x64xf32, #tpu.memory_space<hbm>>) target(%arg9 : memref<128x64xf32, #tpu.memory_space<vmem>>) offsets(%dma_start3A_235 : memref<128xi32, #tpu.memory_space<vmem>>) semaphore(%arg14 : memref<!tpu.dma_semaphore, #tpu.memory_space<semaphore_mem>>)
      } else {
      }
      %scan3A_232 = arith.constant 0 : i32
      scf.yield %scan3A_232 : i32
    }
    %scan3A_35 = arith.constant 10 : i32
    %dma_wait3A = arith.constant 0 : i32
    %dma_wait3A_36 = tpu.memref_slice %arg4[%mul3A_2, %dma_wait3A] : memref<204800x64xf32, #tpu.memory_space<hbm>> -> memref<128x64xf32, #tpu.memory_space<hbm>>
    %dma_wait3A_37 = arith.constant 0 : i32
    %dma_wait3A_38 = tpu.memref_slice %arg4[%mul3A_2, %dma_wait3A_37] : memref<204800x64xf32, #tpu.memory_space<hbm>> -> memref<128x64xf32, #tpu.memory_space<hbm>>
    tpu.wait_dma2 semaphore(%arg16 : memref<!tpu.dma_semaphore, #tpu.memory_space<semaphore_mem>>) src(%arg6 : memref<128x64xf32, #tpu.memory_space<vmem>>) dst(%dma_wait3A_38 : memref<128x64xf32, #tpu.memory_space<hbm>>)
    %dma_wait3A_39 = arith.constant 0 : i32
    %dma_wait3A_40 = tpu.memref_slice %arg4[%mul3A_2, %dma_wait3A_39] : memref<204800x64xf32, #tpu.memory_space<hbm>> -> memref<128x64xf32, #tpu.memory_space<hbm>>
    %dma_wait3A_41 = arith.constant 0 : i32
    %dma_wait3A_42 = tpu.memref_slice %arg4[%mul3A_2, %dma_wait3A_41] : memref<204800x64xf32, #tpu.memory_space<hbm>> -> memref<128x64xf32, #tpu.memory_space<hbm>>
    tpu.wait_dma2 semaphore(%arg17 : memref<!tpu.dma_semaphore, #tpu.memory_space<semaphore_mem>>) src(%arg7 : memref<128x64xf32, #tpu.memory_space<vmem>>) dst(%dma_wait3A_42 : memref<128x64xf32, #tpu.memory_space<hbm>>)
    %dma_wait3A_43 = arith.constant 0 : i32
    %dma_wait3A_44 = tpu.memref_slice %arg4[%mul3A_2, %dma_wait3A_43] : memref<204800x64xf32, #tpu.memory_space<hbm>> -> memref<128x64xf32, #tpu.memory_space<hbm>>
    %dma_wait3A_45 = arith.constant 0 : i32
    %dma_wait3A_46 = tpu.memref_slice %arg4[%mul3A_2, %dma_wait3A_45] : memref<204800x64xf32, #tpu.memory_space<hbm>> -> memref<128x64xf32, #tpu.memory_space<hbm>>
    tpu.wait_dma2 semaphore(%arg18 : memref<!tpu.dma_semaphore, #tpu.memory_space<semaphore_mem>>) src(%arg8 : memref<128x64xf32, #tpu.memory_space<vmem>>) dst(%dma_wait3A_46 : memref<128x64xf32, #tpu.memory_space<hbm>>)
    %dma_wait3A_47 = arith.constant 0 : i32
    %dma_wait3A_48 = tpu.memref_slice %arg4[%mul3A_2, %dma_wait3A_47] : memref<204800x64xf32, #tpu.memory_space<hbm>> -> memref<128x64xf32, #tpu.memory_space<hbm>>
    %dma_wait3A_49 = arith.constant 0 : i32
    %dma_wait3A_50 = tpu.memref_slice %arg4[%mul3A_2, %dma_wait3A_49] : memref<204800x64xf32, #tpu.memory_space<hbm>> -> memref<128x64xf32, #tpu.memory_space<hbm>>
    tpu.wait_dma2 semaphore(%arg19 : memref<!tpu.dma_semaphore, #tpu.memory_space<semaphore_mem>>) src(%arg9 : memref<128x64xf32, #tpu.memory_space<vmem>>) dst(%dma_wait3A_50 : memref<128x64xf32, #tpu.memory_space<hbm>>)
    %dma_wait3A_51 = arith.constant 0 : i32
    %dma_wait3A_52 = tpu.memref_slice %arg4[%mul3A_2, %dma_wait3A_51] : memref<204800x64xf32, #tpu.memory_space<hbm>> -> memref<128x64xf32, #tpu.memory_space<hbm>>
    %dma_wait3A_53 = arith.constant 0 : i32
    %dma_wait3A_54 = tpu.memref_slice %arg4[%mul3A_2, %dma_wait3A_53] : memref<204800x64xf32, #tpu.memory_space<hbm>> -> memref<128x64xf32, #tpu.memory_space<hbm>>
    tpu.wait_dma2 semaphore(%arg20 : memref<!tpu.dma_semaphore, #tpu.memory_space<semaphore_mem>>) src(%arg10 : memref<128x64xf32, #tpu.memory_space<vmem>>) dst(%dma_wait3A_54 : memref<128x64xf32, #tpu.memory_space<hbm>>)
    return
  }
}

module attributes {stable_mosaic.version = 14 : i64} {
  func.func @_detile_body(%arg0: i32, %arg1: memref<64x4096xf32, #tpu.memory_space<vmem>>, %arg2: memref<64x4096xf32, #tpu.memory_space<vmem>>, %arg3: memref<4096x128xf32, #tpu.memory_space<vmem>>) attributes {dimension_semantics = [#tpu.dimension_semantics<arbitrary>], iteration_bounds = array<i64: 123>, scalar_prefetch = 0 : i64, scratch_operands = 0 : i64, tpu.core_type = #tpu.core_type<tc>, window_params = [{transform_indices = @transform_0, window_bounds = array<i64: 64, 4096>}, {transform_indices = @transform_1, window_bounds = array<i64: 64, 4096>}, {transform_indices = @transform_2, window_bounds = array<i64: 4096, 128>}]} {
    %get3A = arith.constant 0 : index
    %get3A_0 = arith.constant 0 : index
    %get3A_1 = vector.load %arg1[%get3A, %get3A_0] : memref<64x4096xf32, #tpu.memory_space<vmem>>, vector<64x4096xf32>
    %transpose3A = tpu.transpose %get3A_1, [1, 0] : vector<64x4096xf32> -> vector<4096x64xf32>
    %get3A_2 = arith.constant 0 : index
    %get3A_3 = arith.constant 0 : index
    %get3A_4 = vector.load %arg2[%get3A_2, %get3A_3] : memref<64x4096xf32, #tpu.memory_space<vmem>>, vector<64x4096xf32>
    %transpose3A_5 = tpu.transpose %get3A_4, [1, 0] : vector<64x4096xf32> -> vector<4096x64xf32>
    %concatenate3A = tpu.concatenate %transpose3A, %transpose3A_5 in 1 : vector<4096x64xf32>, vector<4096x64xf32> -> vector<4096x128xf32>
    %swap3A = arith.constant 0 : index
    %swap3A_6 = arith.constant 0 : index
    %swap3A_7 = vector.load %arg3[%swap3A, %swap3A_6] : memref<4096x128xf32, #tpu.memory_space<vmem>>, vector<4096x128xf32>
    tpu.vector_store %arg3[%swap3A, %swap3A_6], %concatenate3A {strides = array<i32>} : memref<4096x128xf32, #tpu.memory_space<vmem>>, vector<4096x128xf32>,
    return
  }
  func.func @transform_0(%arg0: i32) -> (i32, i32) {
    %mul3A = arith.constant 2 : i32
    %mul3A_0 = arith.muli %mul3A, %arg0 : i32
    %c0_i32 = arith.constant 0 : i32
    %c0_i32_1 = arith.constant 0 : i32
    return %c0_i32, %mul3A_0 : i32, i32
  }
  func.func @transform_1(%arg0: i32) -> (i32, i32) {
    %mul3A = arith.constant 2 : i32
    %mul3A_0 = arith.muli %mul3A, %arg0 : i32
    %add3A = arith.constant 1 : i32
    %add3A_1 = arith.addi %mul3A_0, %add3A : i32
    %min3A = arith.constant 244 : i32
    %min3A_2 = arith.minsi %add3A_1, %min3A : i32
    %c0_i32 = arith.constant 0 : i32
    %c0_i32_3 = arith.constant 0 : i32
    return %c0_i32, %min3A_2 : i32, i32
  }
  func.func @transform_2(%arg0: i32) -> (i32, i32) {
    %c0_i32 = arith.constant 0 : i32
    %c0_i32_0 = arith.constant 0 : i32
    return %arg0, %c0_i32 : i32, i32
  }
}

</mosaic_0001>

<sc_bundles>
// kernel: kernel.4.cloned.1.call-start
scs
__scs_entry_jumppad:
0x0: {  	(pc) =	sbr.rel $0x88, $3  }
0x1: {  	(tag) =	ssettag $0x0;
	lr =	simm.s32 $0x1  }
0x2: {  	[smem:$0x3F9F] =	sst lr;
	_ =	strace $0xD0000000  }
0x3: {  	_ = 	snop  }
0x4: {  	_ = 	snop  }
0x5: {  	_ = 	snop  }
0x6: {  	_ = 	snop  }
0x7: {  	_ = 	snop  }
__scs_overlays_trampoline_lowered:
0x8: {  	[smem:$0x3FAE] =	sst s0  }
0x9: {  	[smem:$0x3FAF] =	sst s1  }
0xa: {  	[smem:$0x3FB0] =	sst s2  }
0xb: {  	[smem:$0x3FB1] =	sst s3  }
0xc: {  	[smem:$0x3FB2] =	sst s4  }
0xd: {  	[smem:$0x3FB3] =	sst s5  }
0xe: {  	[smem:$0x3FB4] =	sst s6  }
0xf: {  	[smem:$0x3FB5] =	sst s7  }
0x10: {  	[smem:$0x3FB6] =	sst s8  }
0x11: {  	[smem:$0x3FB7] =	sst s9;
	s0 =	simm.s32 @!p0 $0x0  }
0x12: {  	s1 =	sld [smem:$0x3F9D];
	s0 =	simm.s32 @p0 $0x1  }
0x13: {  	[smem:$0x3FB8] =	sst s0;
	s0 =	simm.s32 @!p1 $0x0  }
0x14: {  	s2 =	sld [smem:$0x3F9C];
	s0 =	simm.s32 @p1 $0x1  }
0x15: {  	[smem:$0x3FB9] =	sst s0;
	s0 =	simm.s32 @!p2 $0x0  }
0x16: {  	s3 =	sld [smem:$0x3FDB];
	s0 =	simm.s32 @p2 $0x1  }
0x17: {  	s4 =	simm.s32 $0x1BF5;
	[smem:$0x3FBB] =	sst s0  }
0x18: {  	s0 =	sld [smem:$0x3F9E];
	_ =	swait.ge [sflag:s4], $0x0  }
0x19: {  	s7 =	sld [smem:$0x3F9F]  }
0x1a: {  	s8 =	sadd.s32 $0xFFFFE003, lr  }
0x1b: {  	s9 =	sadd.s32 $0xFFFFFEF7, lr;
	s5 =	simm.s32 $0xFFFFFFFF;
	p2 =	slt.u32 s8, $0xFFFFF086  }
0x1c: {  	p1 =	slt.u32 s9, $0xF7A;
	s5 =	simm.s32 @!p2 $0x0  }
0x1d: {  	s5 =	simm.s32 @p1 $0x1;
	p0 =	seq.s32 s7, s2  }
0x1e: {  	s7 =	smul.u32 @!p0 $0xF7A, s2;
	p2 =	seq.s32 @!p0 s5, $0x0  }
0x1f: {  	s9 =	smul.u32 $0xF7A, s1;
	s8 =	simm.s32 @!p0 $0x1BF5;
	p2 =	por !p2, p0  }
0x20: {  	[sflag:s8] =	ssyncset.s32 @!p0 $0xFFFFF086;
	s6 =	sadd.s32 @!p0 s3, s7;
	s7 =	simm.s32 @!p0 $0x108  }
0x21: {  	s3 =	sadd.s32 s3, s9;
	s6 =	sadd.s32 @!p0 $0x88, s6;
	s7 =	simm.s32 @p2 $0x1082  }
0x22: {  	[simem:s7], [sflag:s8] =	dma.local @!p0 [hbm:s6], $0xF7A  }
0x23: {  	s9 =	sor.u32 $0xD0000000, s2;
	s6 =	simm.s32 $0x108;
	_ =	swait.ge @!p0 [sflag:s8], $0x0  }
0x24: {  	s3 =	sadd.s32 $0x88, s3;
	s6 =	simm.s32 @!p1 $0x1082;
	[sflag:s4] =	ssyncset.s32 $0xFFFFF086  }
0x25: {  	[simem:s6], [sflag:s4] =	dma.local [hbm:s3], $0xF7A  }
0x26: {  	[smem:$0x3F9F] =	sst s1;
	(tag) =	ssettag s2;
	_ =	strace s9  }
0x27: {  	s1 =	sld [smem:$0x3FAF]  }
0x28: {  	s2 =	sld [smem:$0x3FB0]  }
0x29: {  	s4 =	sld [smem:$0x3FB2]  }
0x2a: {  	p0 =	seq.s32 s5, $0x0;
	s5 =	sld [smem:$0x3FB3]  }
0x2b: {  	s6 =	sld [smem:$0x3FB4]  }
0x2c: {  	s7 =	sld [smem:$0x3FB5]  }
0x2d: {  	s3 =	simm.s32 $0x108;
	s8 =	sld [smem:$0x3FB6]  }
0x2e: {  	s3 =	simm.s32 @!p0 $0x1082;
	s9 =	sld [smem:$0x3FB7]  }
0x2f: {  	lr =	sadd.s32 s0, s3;
	s0 =	sld [smem:$0x3FAE]  }
0x30: {  	s3 =	sld [smem:$0x3FB1]  }
0x31: {  	[smem:$0x3FBA] =	sst s10  }
0x32: {  	s10 =	sld [smem:$0x3FB8];
	_ =	sdelay $0x3  }
0x33: {  	p0 =	seq.s32 s10, $0x1;
	s10 =	sld [smem:$0x3FBA];
	_ =	sdelay $0x3  }
0x34: {  	[smem:$0x3FBA] =	sst s10  }
0x35: {  	s10 =	sld [smem:$0x3FB9];
	_ =	sdelay $0x3  }
0x36: {  	p1 =	seq.s32 s10, $0x1;
	s10 =	sld [smem:$0x3FBA];
	_ =	sdelay $0x3  }
0x37: {  	[smem:$0x3FBA] =	sst s10  }
0x38: {  	s10 =	sld [smem:$0x3FBB]  }
0x39: {  	_ = 	snop;
	(pc) =	sbr.ind lr, $3  }
0x3a: {  	_ = 	snop  }
0x3b: {  	_ = 	snop  }
0x3c: {  	p2 =	seq.s32 s10, $0x1;
	s10 =	sld [smem:$0x3FBA]  }
0x3d: {  	_ =	shalt  }
0x3e: {  	_ =	shalt  }
0x3f: {  	_ =	shalt  }
0x40: {  	_ =	shalt  }
0x41: {  	_ =	shalt  }
0x42: {  	_ =	shalt  }
0x43: {  	_ =	shalt  }
0x44: {  	_ =	shalt  }
0x45: {  	_ =	shalt  }
0x46: {  	_ =	shalt  }
0x47: {  	_ =	shalt  }
0x48: {  	_ =	shalt  }
0x49: {  	_ =	shalt  }
0x4a: {  	_ =	shalt  }
0x4b: {  	_ =	shalt  }
0x4c: {  	_ =	shalt  }
0x4d: {  	_ =	shalt  }
0x4e: {  	_ =	shalt  }
0x4f: {  	_ =	shalt  }
0x50: {  	_ =	shalt  }
0x51: {  	_ =	shalt  }
0x52: {  	_ =	shalt  }
0x53: {  	_ =	shalt  }
0x54: {  	_ =	shalt  }
0x55: {  	_ =	shalt  }
0x56: {  	_ =	shalt  }
0x57: {  	_ =	shalt  }
0x58: {  	_ =	shalt  }
0x59: {  	_ =	shalt  }
0x5a: {  	_ =	shalt  }
0x5b: {  	_ =	shalt  }
0x5c: {  	_ =	shalt  }
0x5d: {  	_ =	shalt  }
0x5e: {  	_ =	shalt  }
0x5f: {  	_ =	shalt  }
0x60: {  	_ =	shalt  }
0x61: {  	_ =	shalt  }
0x62: {  	_ =	shalt  }
0x63: {  	_ =	shalt  }
0x64: {  	_ =	shalt  }
0x65: {  	_ =	shalt  }
0x66: {  	_ =	shalt  }
0x67: {  	_ =	shalt  }
0x68: {  	_ =	shalt  }
0x69: {  	_ =	shalt  }
0x6a: {  	_ =	shalt  }
0x6b: {  	_ =	shalt  }
0x6c: {  	_ =	shalt  }
0x6d: {  	_ =	shalt  }
0x6e: {  	_ =	shalt  }
0x6f: {  	_ =	shalt  }
0x70: {  	_ =	shalt  }
0x71: {  	_ =	shalt  }
0x72: {  	_ =	shalt  }
0x73: {  	_ =	shalt  }
0x74: {  	_ =	shalt  }
0x75: {  	_ =	shalt  }
0x76: {  	_ =	shalt  }
0x77: {  	_ =	shalt  }
0x78: {  	_ =	shalt  }
0x79: {  	_ =	shalt  }
0x7a: {  	_ =	shalt  }
0x7b: {  	_ =	shalt  }
0x7c: {  	_ =	shalt  }
0x7d: {  	_ =	shalt  }
0x7e: {  	_ =	shalt  }
0x7f: {  	_ =	shalt  }
0x80: {  	_ =	shalt  }
0x81: {  	_ =	shalt  }
0x82: {  	_ =	shalt  }
0x83: {  	_ =	shalt  }
0x84: {  	_ =	shalt  }
0x85: {  	_ =	shalt  }
0x86: {  	_ =	shalt  }
0x87: {  	_ =	shalt  }
.Lfunc_end0:
.L_simem_size_0:
called_computation.1_lowered:
.L_overlay_start_0:
0x88: {  	s2 =	sld [smem:$0x3FD9]  }
0x89: {  	s3 =	sld [smem:$0x3FFE];
	_ =	sdelay $0x1  }
0x8a: {  	s1 =	srdreg.scid  }
0x8b: {  	s0 =	sand.u32 $0x1, s1  }
0x8c: {  	s17 =	sshll.u32 s0, $0xA;
	s2 =	sadd.s32 s3, s2  }
0x8d: {  	s2 =	sadd.s32 s2, s17  }
0x8e: {  	[smem:$0x3FC6] =	sst s2  }
0x8f: {  	_ = 	snop  }
0x90: {  	s2 =	sld [smem:$0x3FD0];
	(tm) =	ssettm $0x1  }
0x91: {  	s18 =	sld [smem:$0x3FFB];
	_ =	sdelay $0x3  }
0x92: {  	_ =	strace s18  }
0x93: {  	s3 =	sld [smem:$0x3FFC];
	_ =	sdelay $0x3  }
0x94: {  	_ =	strace s3  }
0x95: {  	s3 =	sld [smem:$0x3FFD];
	_ =	sdelay $0x3  }
0x96: {  	_ =	strace s3  }
0x97: {  	_ =	strace $0x8FFFFFFF  }
0x98: {  	s19 =	sld [smem:$0x3FDB];
	_ =	sdelay $0x1  }
0x99: {  	s4 =	simm.s32 $_scs_section_size  }
0x9a: {  	s5 =	simm.s32 $_size__tile_overlayer_lowered;
	s6 =	simm.s32 $_tile_overlayer_lowered  }
0x9b: {  	s22 =	simm.s32 $0x1BFF;
	s21 =	sshll.u32 s6, $0x1;
	s3 =	sadd.s32 s4, s19  }
0x9c: {  	s7 =	simm.s32 $0x0;
	s20 =	sshll.u32 s5, $0x1;
	s5 =	sadd.s32 s21, s3  }
0x9d: {  	[timem:s7], [sflag:s22] =	dma.local [hbm:s5], s20  }
0x9e: {  	_ =	swait.ge [sflag:s22], s20  }
0x9f: {  	s4 =	ssub.s32 $0x0, s20;
	[sflag:s22] =	ssyncset.done $0x0  }
0xa0: {  	[sflag:s22] =	ssyncadd.s32 s4;
	_ =	sdelay $0x1  }
0xa1: {  	s23 =	simm.s32 $0x1B8B  }
0xa2: {  	_ =	swait.ge [sflag:s23], $0x1  }
0xa3: {  	[sflag:s23] =	ssyncset.done $0x0  }
0xa4: {  	s25 =	simm.s32 $0x1B8E;
	s24 =	sld [smem:$0x3FFE];
	[sflag:s23] =	ssyncadd.s32 $0xFFFFFFFF  }
0xa5: {  	s26 =	simm.s32 $execute0_lowered;
	[smem:$0x3FD2] =	sst s25  }
0xa6: {  	s5 =	sshll.u32 s26, $0x1;
	_ =	strace $0x80000046;
	[dreg:$0x1] =	wrdreg $0xFFFFFFFF  }
0xa7: {  	s28 =	simm.s32 $_size_execute0_lowered;
	s3 =	sadd.s32 s3, s5;
	[dreg:$0x0] =	wrdreg $0x0  }
0xa8: {  	s5 =	sshll.u32 s28, $0x1;
	[dreg:$0x2] =	wrdreg s3  }
0xa9: {  	[dreg:$0x3] =	wrdreg s5  }
0xaa: {  	[dreg:$0x4] =	wrdreg $0xC0  }
0xab: {  	_ =	task [dreg:s7], $0x5FFFF  }
0xac: {  	[dreg:$0x1] =	wrdreg $0xFFFFFFFF  }
0xad: {  	[dreg:$0x0] =	wrdreg $0x60  }
0xae: {  	[dreg:$0x2] =	wrdreg s24  }
0xaf: {  	[dreg:$0x3] =	wrdreg s2  }
0xb0: {  	[dreg:$0x4] =	wrdreg $0x9  }
0xb1: {  	_ =	task.clear_ibuf [dreg:s7], $0x5FFFF;
	_ =	strace $0x90000046  }
0xb2: {  	s29 =	simm.s32 $0x9;
	_ =	strace $0x80000048  }
0xb3: {  	_ =	swait.ge [sflag:s29], $0x1  }
0xb4: {  	[sflag:s29] =	ssyncadd.s32 $0xFFFFFFFF  }
0xb5: {  	_ =	strace $0x90000048  }
0xb6: {  	_ =	sfence  }
0xb7: {  	s30 =	sld [smem:$0x0];
	_ =	sdelay $0x2  }
0xb8: {  	s31 =	sshll.u32 s1, $0xD;
	s1 =	sshrl.u32 s1, $0x2  }
0xb9: {  	s3 =	sand.u32 $0x4000, s31;
	s1 =	sadd.s32 s1, s30  }
0xba: {  	s0 =	sor.u32 s3, s0;
	s1 =	sshll.u32 s1, $0x11  }
0xbb: {  	s0 =	sor.u32 s1, s0  }
0xbc: {  	s0 =	sadd.s32 $0x8F2B, s0  }
0xbd: {  	[sflag:s0] =	ssyncadd.remote.s32 $0x1  }
0xbe: {  	_ =	sfence.sel $0xFFFF  }
0xbf: {  	[dreg:$0x0] =	wrdreg $0xFFFFFFFF;
	(pc) =	sbr.abs _section_cstart, $3  }
0xc0: {  	[dreg:$0x1] =	wrdreg $0xFFFFFFFF  }
0xc1: {  	_ =	task.clear_ibuf [dreg:s7], $0x2FFFF;
	_ =	strace $0x9FFFFFFF  }
0xc2: {  	(tm) =	ssettm $0x7FFFFFFF  }
0xc3: {  	_ =	shalt  }
tec
execute0_lowered:
.L_overlay_start_1:
0x0: {  	(tag) =	ssettag $0x1  }
0x1: {  	s0 =	srdreg.scid  }
0x2: {  	s2 =	stileid.u32;
	s1 =	rddreg [dreg:$0x0]  }
0x3: {  	s13 =	simm.s32 $0x80;
	s14 =	simm.s32 $0x1900;
	s15 =	simm.s32 $0x3900  }
0x4: {  	s17 =	simm.s32 $0x5900;
	s19 =	simm.s32 $0x7900;
	s20 =	simm.s32 $0x1  }
0x5: {  	s21 =	simm.s32 $0x9900;
	s22 =	simm.s32 $0x2;
	s23 =	simm.s32 $0x3  }
0x6: {  	s24 =	simm.s32 $0x4;
	s25 =	simm.s32 $0x5;
	s28 =	simm.s32 $0x7  }
0x7: {  	s29 =	simm.s32 $0x8;
	s0 =	sand.u32 $0x1, s0;
	s3 =	sshll.u32 s2, $0x1  }
0x8: {  	s30 =	simm.s32 $0x9;
	s31 =	simm.s32 $0xA;
	s5 =	sor.u32 s0, s3  }
0x9: {  	s2 =	rddreg [dreg:$0x1];
	s3 =	simm.s32 $0x0;
	s4 =	smul.u32 $0x1900, s5  }
0xa: {  	s0 =	ssub.s32 $0x2, s0;
	[smem:$0x7FF] =	sst s3;
	s5 =	smul.u32 $0x64000, s5  }
.Ltmp0:
0xb: {  	s8 =	sshrl.u32 s0, $0x1;
	_ =	strace $0x80000047;
	(pc) =	sbr.rel .LBB2_1-.Ltmp0, $4  }
0xc: {  	s0 =	ssub.s32 s0, s8;
	s6 =	sshrl.u32 s4, $0x3;
	s8 =	sor.u32 $0x2000, s5  }
0xd: {  	s9 =	sadd.s32 $0x4000, s5;
	s0 =	smax.u32 s0, $0x1;
	s7 =	sadd.s32 s6, s1  }
0xe: {  	s10 =	sadd.s32 $0x6000, s5;
	[dreg:$0x4] =	wrdreg s0;
	s26 =	sadd.s32 $0x800, s7  }
0xf: {  	s6 =	sadd.s32 $0x6C00, s1;
	s1 =	simm.s32 $0x0;
	[dreg:$0x3] =	wrdreg s26  }
.LBB2_14:
0x10: {  	s0 =	simm.s32 $0x6  }
0x11: {  	_ =	swait.ge [sflag:s0], $0x2000  }
0x12: {  	[sflag:s0] =	ssyncset.done $0x0  }
0x13: {  	[sflag:s0] =	ssyncadd.s32 $0xFFFFE000  }
0x14: {  	_ =	swait.ge [sflag:s28], $0x2000  }
0x15: {  	[sflag:s28] =	ssyncset.done $0x0  }
0x16: {  	[sflag:s28] =	ssyncadd.s32 $0xFFFFE000  }
0x17: {  	_ =	swait.ge [sflag:s29], $0x2000  }
0x18: {  	[sflag:s29] =	ssyncset.done $0x0  }
0x19: {  	[sflag:s29] =	ssyncadd.s32 $0xFFFFE000  }
0x1a: {  	_ =	swait.ge [sflag:s30], $0x2000  }
0x1b: {  	[sflag:s30] =	ssyncset.done $0x0  }
0x1c: {  	[sflag:s30] =	ssyncadd.s32 $0xFFFFE000  }
0x1d: {  	_ =	swait.ge [sflag:s31], $0x2000  }
0x1e: {  	s1 =	sadd.s32 $0x1, s1;
	s26 =	rddreg [dreg:$0x4]  }
0x1f: {  	p0 =	sne.s32 s1, s26  }
.Ltmp1:
0x20: {  	_ = 	snop;
	(pc) =	sbr.rel @!p0 .LBB2_15-.Ltmp1, $3  }
0x21: {  	_ =	sdelay $0x1  }
0x22: {  	[sflag:s31] =	ssyncset.done $0x0  }
0x23: {  	[sflag:s31] =	ssyncadd.s32 $0xFFFFE000  }
.LBB2_1:
0x24: {  	s0 =	rddreg [dreg:$0x3];
	s16 =	simm.s32 $0xB  }
0x25: {  	[tilespmem:s3], [sflag:$0xB] =	stream.linear.gather [hbm4b:s0+s3], $0x1900, $0x38;
	[tilespmem:$0xB900] =	vst v63  }
0x26: {  	_ =	swait.ge [sflag:s16], $0x1900  }
0x27: {  	[sflag:s16] =	ssyncset.done $0x0  }
0x28: {  	[sflag:s16] =	ssyncadd.s32 $0xFFFFE700  }
0x29: {  	[tilespmem:s14], [sflag:$0x1] =	stream.indirect.gather [hbm4b:s6+s13], $0x40, s3, s13, $0xb8;
	[tilespmem:$0xB900] =	vst v63  }
0x2a: {  	_ = 	snop  }
0x2b: {  	[tilespmem:s15], [sflag:$0x2] =	stream.indirect.gather [hbm4b:s6+s13], $0x40, s13, s13, $0xb8;
	[tilespmem:$0xB900] =	vst v63  }
0x2c: {  	s18 =	simm.s32 $0x100  }
0x2d: {  	[tilespmem:s17], [sflag:$0x3] =	stream.indirect.gather [hbm4b:s6+s13], $0x40, s18, s13, $0xb8;
	[tilespmem:$0xB900] =	vst v63  }
0x2e: {  	s26 =	simm.s32 $0x180;
	s0 =	simm.s32 $0x0  }
0x2f: {  	[tilespmem:s19], [sflag:$0x4] =	stream.indirect.gather [hbm4b:s6+s13], $0x40, s26, s13, $0xb8;
	[tilespmem:$0xB900] =	vst v63  }
.LBB2_2:
0x30: {  	_ =	swait.ge [sflag:s20], $0x2000  }
0x31: {  	[sflag:s20] =	ssyncset.done $0x0  }
0x32: {  	s7 =	simm.s32 $0x1980;
	[sflag:s20] =	ssyncadd.s32 $0xFFFFE000  }
0x33: {  	v0 =	vld [tilespmem:s7+$0x70]  }
0x34: {  	v1 =	vld [tilespmem:s7+$0xFFFFFF90]  }
0x35: {  	v2 =	vld [tilespmem:s7+$0xFFFFFFA0]  }
0x36: {  	v3 =	vld [tilespmem:s7+$0xFFFFFFB0]  }
0x37: {  	v4 =	vld [tilespmem:s7+$0xFFFFFFC0]  }
0x38: {  	v5 =	vld [tilespmem:s7+$0xFFFFFFD0];
	v0 =	vmul.f32 $8.000000000e+00, v0  }
0x39: {  	v6 =	vld [tilespmem:s7+$0xFFFFFFE0];
	v1 =	vmul.f32 $8.000000000e+00, v1  }
0x3a: {  	v7 =	vld [tilespmem:s7+$0xFFFFFFF0];
	v2 =	vmul.f32 $8.000000000e+00, v2;
	[tilespmem:s7+$0x70] =	vst v0  }
0x3b: {  	[tilespmem:s7+$0xFFFFFF90] =	vst v1;
	v0 =	vmul.f32 $8.000000000e+00, v3;
	v3 =	vld [tilespmem:s7+$0x0]  }
0x3c: {  	[tilespmem:s7+$0xFFFFFFA0] =	vst v2;
	v1 =	vmul.f32 $8.000000000e+00, v4;
	v4 =	vld [tilespmem:s7+$0x10]  }
0x3d: {  	v8 =	vld [tilespmem:s7+$0x20];
	v2 =	vmul.f32 $8.000000000e+00, v5;
	[tilespmem:s7+$0xFFFFFFB0] =	vst v0  }
0x3e: {  	v5 =	vmul.f32 $8.000000000e+00, v6;
	[tilespmem:s7+$0xFFFFFFC0] =	vst v1;
	v0 =	vld [tilespmem:s7+$0x30]  }
0x3f: {  	[tilespmem:s7+$0xFFFFFFD0] =	vst v2;
	v2 =	vmul.f32 $8.000000000e+00, v7;
	v1 =	vld [tilespmem:s7+$0x40]  }
0x40: {  	[tilespmem:s7+$0xFFFFFFE0] =	vst v5;
	v6 =	vmul.f32 $8.000000000e+00, v3;
	v3 =	vld [tilespmem:s7+$0x50]  }
0x41: {  	[tilespmem:s7+$0xFFFFFFF0] =	vst v2;
	v2 =	vld [tilespmem:s7+$0x60];
	v5 =	vmul.f32 $8.000000000e+00, v4  }
0x42: {  	s11 =	simm.s32 $0x0;
	s12 =	simm.s32 $0x1A80;
	v4 =	vld [tilespmem:s7+$0xFFFFFF80];
	[tilespmem:s7+$0x0] =	vst v6;
	v6 =	vmul.f32 $8.000000000e+00, v8  }
.LBB2_3:
0x43: {  	v7 =	vld [tilespmem:s12+$0x70];
	s11 =	sadd.s32 $0x4, s11;
	[tilespmem:s7+$0x10] =	vst v5;
	v0 =	vmul.f32 $8.000000000e+00, v0  }
0x44: {  	v5 =	vld [tilespmem:s12+$0xFFFFFF90];
	p0 =	slt.u32 s11, $0x7C;
	[tilespmem:s7+$0x20] =	vst v6;
	v1 =	vmul.f32 $8.000000000e+00, v1  }
0x45: {  	v6 =	vld [tilespmem:s12+$0xFFFFFFA0];
	[tilespmem:s7+$0x30] =	vst v0;
	v0 =	vmul.f32 $8.000000000e+00, v3  }
0x46: {  	v3 =	vld [tilespmem:s12+$0xFFFFFFB0];
	[tilespmem:s7+$0x40] =	vst v1;
	v1 =	vmul.f32 $8.000000000e+00, v2  }
0x47: {  	v2 =	vld [tilespmem:s12+$0xFFFFFFC0];
	v4 =	vmul.f32 $8.000000000e+00, v4;
	[tilespmem:s7+$0x50] =	vst v0  }
0x48: {  	v0 =	vld [tilespmem:s12+$0xFFFFFFD0];
	v7 =	vmul.f32 $8.000000000e+00, v7;
	[tilespmem:s7+$0x60] =	vst v1  }
0x49: {  	v1 =	vmul.f32 $8.000000000e+00, v5;
	v5 =	vld [tilespmem:s12+$0xFFFFFFE0];
	[tilespmem:s7+$0xFFFFFF80] =	vst v4;
	s7 =	smov.u32 s12  }
0x4a: {  	v4 =	vmul.f32 $8.000000000e+00, v6;
	v6 =	vld [tilespmem:s12+$0xFFFFFFF0];
	[tilespmem:s12+$0x70] =	vst v7  }
0x4b: {  	[tilespmem:s12+$0xFFFFFF90] =	vst v1;
	v1 =	vmul.f32 $8.000000000e+00, v3;
	v3 =	vld [tilespmem:s12+$0x0]  }
0x4c: {  	[tilespmem:s12+$0xFFFFFFA0] =	vst v4;
	v2 =	vmul.f32 $8.000000000e+00, v2;
	v4 =	vld [tilespmem:s12+$0x10]  }
0x4d: {  	[tilespmem:s12+$0xFFFFFFB0] =	vst v1;
	v1 =	vmul.f32 $8.000000000e+00, v0;
	v7 =	vld [tilespmem:s12+$0x20]  }
.Ltmp2:
0x4e: {  	[tilespmem:s12+$0xFFFFFFC0] =	vst v2;
	v2 =	vmul.f32 $8.000000000e+00, v5;
	v0 =	vld [tilespmem:s12+$0x30];
	(pc) =	sbr.rel @p0 .LBB2_3-.Ltmp2, $4  }
0x4f: {  	[tilespmem:s12+$0xFFFFFFD0] =	vst v1;
	v5 =	vmul.f32 $8.000000000e+00, v6;
	v1 =	vld [tilespmem:s12+$0x40]  }
0x50: {  	[tilespmem:s12+$0xFFFFFFE0] =	vst v2;
	v6 =	vmul.f32 $8.000000000e+00, v3;
	v3 =	vld [tilespmem:s12+$0x50]  }
0x51: {  	[tilespmem:s12+$0xFFFFFFF0] =	vst v5;
	v5 =	vmul.f32 $8.000000000e+00, v4;
	v2 =	vld [tilespmem:s12+$0x60]  }
0x52: {  	s12 =	sadd.s32 $0x100, s12;
	v4 =	vld [tilespmem:s7+$0xFFFFFF80];
	[tilespmem:s7+$0x0] =	vst v6;
	v6 =	vmul.f32 $8.000000000e+00, v7  }
0x53: {  	[tilespmem:s7+$0x10] =	vst v5;
	v0 =	vmul.f32 $8.000000000e+00, v0  }
0x54: {  	[tilespmem:s7+$0x20] =	vst v6;
	v1 =	vmul.f32 $8.000000000e+00, v1  }
0x55: {  	s11 =	smul.u32 $0x280, s0;
	[tilespmem:s7+$0x30] =	vst v0;
	v0 =	vmul.f32 $8.000000000e+00, v3  }
0x56: {  	[tilespmem:s7+$0x40] =	vst v1;
	v1 =	vmul.f32 $8.000000000e+00, v2  }
0x57: {  	s11 =	sadd.s32 s4, s11;
	v2 =	vmul.f32 $8.000000000e+00, v4;
	[tilespmem:s7+$0x50] =	vst v0  }
0x58: {  	p0 =	seq.s32 s0, $0x0;
	s11 =	sshll.u32 s11, $0x3;
	[tilespmem:s7+$0x60] =	vst v1  }
0x59: {  	s26 =	smul.u32 $0x5, s0;
	s18 =	sadd.s32 s2, s11;
	s11 =	simm.s32 @!p0 $0xA;
	[tilespmem:s7+$0xFFFFFF80] =	vst v2  }
0x5a: {  	[hbm4b:s18+s3] =	stream.linear.scatter [tilespmem:s14], [sflag:$0x6], $0x2000, $0x38;
	[tilespmem:$0xB900] =	vst v63  }
0x5b: {  	s16 =	sadd.s32 $0x4, s26;
	_ =	swait.ge @!p0 [sflag:s11], $0x2000  }
0x5c: {  	s7 =	sshll.u32 s16, $0x7;
	[sflag:s11] =	ssyncset.done @!p0 $0x0  }
0x5d: {  	s7 =	sand.u32 $0x3FFFFF80, s7;
	[sflag:s11] =	ssyncadd.s32 @!p0 $0xFFFFE000  }
0x5e: {  	[tilespmem:s21], [sflag:$0x5] =	stream.indirect.gather [hbm4b:s6+s13], $0x40, s7, s13, $0xb8;
	[tilespmem:$0xB900] =	vst v63  }
0x5f: {  	_ =	swait.ge [sflag:s22], $0x2000  }
0x60: {  	[sflag:s22] =	ssyncset.done $0x0  }
0x61: {  	s7 =	simm.s32 $0x3980;
	[sflag:s22] =	ssyncadd.s32 $0xFFFFE000  }
0x62: {  	v0 =	vld [tilespmem:s7+$0x70]  }
0x63: {  	v1 =	vld [tilespmem:s7+$0xFFFFFF90]  }
0x64: {  	v2 =	vld [tilespmem:s7+$0xFFFFFFA0]  }
0x65: {  	v3 =	vld [tilespmem:s7+$0xFFFFFFB0]  }
0x66: {  	v4 =	vld [tilespmem:s7+$0xFFFFFFC0]  }
0x67: {  	v5 =	vld [tilespmem:s7+$0xFFFFFFD0];
	v0 =	vmul.f32 $8.000000000e+00, v0  }
0x68: {  	v6 =	vld [tilespmem:s7+$0xFFFFFFE0];
	v1 =	vmul.f32 $8.000000000e+00, v1  }
0x69: {  	v7 =	vld [tilespmem:s7+$0xFFFFFFF0];
	v2 =	vmul.f32 $8.000000000e+00, v2;
	[tilespmem:s7+$0x70] =	vst v0  }
0x6a: {  	[tilespmem:s7+$0xFFFFFF90] =	vst v1;
	v0 =	vmul.f32 $8.000000000e+00, v3;
	v3 =	vld [tilespmem:s7+$0x0]  }
0x6b: {  	[tilespmem:s7+$0xFFFFFFA0] =	vst v2;
	v1 =	vmul.f32 $8.000000000e+00, v4;
	v4 =	vld [tilespmem:s7+$0x10]  }
0x6c: {  	v8 =	vld [tilespmem:s7+$0x20];
	v2 =	vmul.f32 $8.000000000e+00, v5;
	[tilespmem:s7+$0xFFFFFFB0] =	vst v0  }
0x6d: {  	v5 =	vmul.f32 $8.000000000e+00, v6;
	[tilespmem:s7+$0xFFFFFFC0] =	vst v1;
	v0 =	vld [tilespmem:s7+$0x30]  }
0x6e: {  	[tilespmem:s7+$0xFFFFFFD0] =	vst v2;
	v2 =	vmul.f32 $8.000000000e+00, v7;
	v1 =	vld [tilespmem:s7+$0x40]  }
0x6f: {  	[tilespmem:s7+$0xFFFFFFE0] =	vst v5;
	v6 =	vmul.f32 $8.000000000e+00, v3;
	v3 =	vld [tilespmem:s7+$0x50]  }
0x70: {  	[tilespmem:s7+$0xFFFFFFF0] =	vst v2;
	v2 =	vld [tilespmem:s7+$0x60];
	v5 =	vmul.f32 $8.000000000e+00, v4  }
0x71: {  	s12 =	simm.s32 $0x3A80;
	s11 =	simm.s32 $0x0;
	v4 =	vld [tilespmem:s7+$0xFFFFFF80];
	[tilespmem:s7+$0x0] =	vst v6;
	v6 =	vmul.f32 $8.000000000e+00, v8  }
.LBB2_5:
0x72: {  	v7 =	vld [tilespmem:s12+$0x70];
	s11 =	sadd.s32 $0x4, s11;
	[tilespmem:s7+$0x10] =	vst v5;
	v0 =	vmul.f32 $8.000000000e+00, v0  }
0x73: {  	v5 =	vld [tilespmem:s12+$0xFFFFFF90];
	p0 =	slt.u32 s11, $0x7C;
	[tilespmem:s7+$0x20] =	vst v6;
	v1 =	vmul.f32 $8.000000000e+00, v1  }
0x74: {  	v6 =	vld [tilespmem:s12+$0xFFFFFFA0];
	[tilespmem:s7+$0x30] =	vst v0;
	v0 =	vmul.f32 $8.000000000e+00, v3  }
0x75: {  	v3 =	vld [tilespmem:s12+$0xFFFFFFB0];
	[tilespmem:s7+$0x40] =	vst v1;
	v1 =	vmul.f32 $8.000000000e+00, v2  }
0x76: {  	v2 =	vld [tilespmem:s12+$0xFFFFFFC0];
	v4 =	vmul.f32 $8.000000000e+00, v4;
	[tilespmem:s7+$0x50] =	vst v0  }
0x77: {  	v0 =	vld [tilespmem:s12+$0xFFFFFFD0];
	v7 =	vmul.f32 $8.000000000e+00, v7;
	[tilespmem:s7+$0x60] =	vst v1  }
0x78: {  	v1 =	vmul.f32 $8.000000000e+00, v5;
	v5 =	vld [tilespmem:s12+$0xFFFFFFE0];
	[tilespmem:s7+$0xFFFFFF80] =	vst v4;
	s7 =	smov.u32 s12  }
0x79: {  	v4 =	vmul.f32 $8.000000000e+00, v6;
	v6 =	vld [tilespmem:s12+$0xFFFFFFF0];
	[tilespmem:s12+$0x70] =	vst v7  }
0x7a: {  	[tilespmem:s12+$0xFFFFFF90] =	vst v1;
	v1 =	vmul.f32 $8.000000000e+00, v3;
	v3 =	vld [tilespmem:s12+$0x0]  }
0x7b: {  	[tilespmem:s12+$0xFFFFFFA0] =	vst v4;
	v2 =	vmul.f32 $8.000000000e+00, v2;
	v4 =	vld [tilespmem:s12+$0x10]  }
0x7c: {  	[tilespmem:s12+$0xFFFFFFB0] =	vst v1;
	v1 =	vmul.f32 $8.000000000e+00, v0;
	v7 =	vld [tilespmem:s12+$0x20]  }
.Ltmp3:
0x7d: {  	[tilespmem:s12+$0xFFFFFFC0] =	vst v2;
	v2 =	vmul.f32 $8.000000000e+00, v5;
	v0 =	vld [tilespmem:s12+$0x30];
	(pc) =	sbr.rel @p0 .LBB2_5-.Ltmp3, $4  }
0x7e: {  	[tilespmem:s12+$0xFFFFFFD0] =	vst v1;
	v5 =	vmul.f32 $8.000000000e+00, v6;
	v1 =	vld [tilespmem:s12+$0x40]  }
0x7f: {  	[tilespmem:s12+$0xFFFFFFE0] =	vst v2;
	v6 =	vmul.f32 $8.000000000e+00, v3;
	v3 =	vld [tilespmem:s12+$0x50]  }
0x80: {  	[tilespmem:s12+$0xFFFFFFF0] =	vst v5;
	v5 =	vmul.f32 $8.000000000e+00, v4;
	v2 =	vld [tilespmem:s12+$0x60]  }
0x81: {  	s12 =	sadd.s32 $0x100, s12;
	v4 =	vld [tilespmem:s7+$0xFFFFFF80];
	[tilespmem:s7+$0x0] =	vst v6;
	v6 =	vmul.f32 $8.000000000e+00, v7  }
0x82: {  	[tilespmem:s7+$0x10] =	vst v5;
	v0 =	vmul.f32 $8.000000000e+00, v0  }
0x83: {  	[tilespmem:s7+$0x20] =	vst v6;
	v1 =	vmul.f32 $8.000000000e+00, v1  }
0x84: {  	s18 =	smul.u32 $0xA000, s0;
	[tilespmem:s7+$0x30] =	vst v0;
	v0 =	vmul.f32 $8.000000000e+00, v3  }
0x85: {  	[tilespmem:s7+$0x40] =	vst v1;
	v1 =	vmul.f32 $8.000000000e+00, v2  }
0x86: {  	s11 =	sadd.s32 s8, s18;
	v2 =	vmul.f32 $8.000000000e+00, v4;
	[tilespmem:s7+$0x50] =	vst v0  }
0x87: {  	p0 =	seq.s32 s0, $0x9;
	s11 =	sshrl.u32 s11, $0x3;
	[tilespmem:s7+$0x60] =	vst v1  }
0x88: {  	s26 =	sadd.s32 s2, s11;
	[tilespmem:s7+$0xFFFFFF80] =	vst v2;
	s7 =	simm.s32 @!p0 $0x6  }
0x89: {  	[hbm4b:s26+s3] =	stream.linear.scatter [tilespmem:s15], [sflag:$0x7], $0x2000, $0x38;
	[tilespmem:$0xB900] =	vst v63  }
0x8a: {  	s11 =	smul.u32 @!p0 $0xA00, s0;
	_ =	swait.ge @!p0 [sflag:s7], $0x2000  }
0x8b: {  	[sflag:s7] =	ssyncset.done @!p0 $0x0  }
0x8c: {  	[sflag:s7] =	ssyncadd.s32 @!p0 $0xFFFFE000;
	s7 =	sshra.s32 @!p0 s11, $0x2  }
0x8d: {  	s12 =	simm.s32 @!p0 $0x80;
	s26 =	simm.s32 @!p0 $0x1900;
	s11 =	sadd.s32 @!p0 $0x280, s7  }
0x8e: {  	[tilespmem:s26], [sflag:$0x1] =	stream.indirect.gather @!p0 [hbm4b:s6+s12], $0x40, s11, s12, $0xb8;
	[tilespmem:$0xB900] =	vst v63  }
0x8f: {  	_ =	swait.ge [sflag:s23], $0x2000  }
0x90: {  	[sflag:s23] =	ssyncset.done $0x0  }
0x91: {  	s11 =	simm.s32 $0x5980;
	[sflag:s23] =	ssyncadd.s32 $0xFFFFE000  }
0x92: {  	v0 =	vld [tilespmem:s11+$0x70]  }
0x93: {  	v1 =	vld [tilespmem:s11+$0xFFFFFF90]  }
0x94: {  	v2 =	vld [tilespmem:s11+$0xFFFFFFA0]  }
0x95: {  	v3 =	vld [tilespmem:s11+$0xFFFFFFB0]  }
0x96: {  	v4 =	vld [tilespmem:s11+$0xFFFFFFC0]  }
0x97: {  	v5 =	vld [tilespmem:s11+$0xFFFFFFD0];
	v0 =	vmul.f32 $8.000000000e+00, v0  }
0x98: {  	v6 =	vld [tilespmem:s11+$0xFFFFFFE0];
	v1 =	vmul.f32 $8.000000000e+00, v1  }
0x99: {  	v7 =	vld [tilespmem:s11+$0xFFFFFFF0];
	v2 =	vmul.f32 $8.000000000e+00, v2;
	[tilespmem:s11+$0x70] =	vst v0  }
0x9a: {  	[tilespmem:s11+$0xFFFFFF90] =	vst v1;
	v0 =	vmul.f32 $8.000000000e+00, v3;
	v3 =	vld [tilespmem:s11+$0x0]  }
0x9b: {  	[tilespmem:s11+$0xFFFFFFA0] =	vst v2;
	v1 =	vmul.f32 $8.000000000e+00, v4;
	v4 =	vld [tilespmem:s11+$0x10]  }
0x9c: {  	v8 =	vld [tilespmem:s11+$0x20];
	v2 =	vmul.f32 $8.000000000e+00, v5;
	[tilespmem:s11+$0xFFFFFFB0] =	vst v0  }
0x9d: {  	v5 =	vmul.f32 $8.000000000e+00, v6;
	[tilespmem:s11+$0xFFFFFFC0] =	vst v1;
	v0 =	vld [tilespmem:s11+$0x30]  }
0x9e: {  	v6 =	vmul.f32 $8.000000000e+00, v7;
	[tilespmem:s11+$0xFFFFFFD0] =	vst v2;
	v1 =	vld [tilespmem:s11+$0x40]  }
0x9f: {  	[tilespmem:s11+$0xFFFFFFE0] =	vst v5;
	v2 =	vld [tilespmem:s11+$0x50];
	v7 =	vmul.f32 $8.000000000e+00, v3  }
0xa0: {  	[tilespmem:s11+$0xFFFFFFF0] =	vst v6;
	v3 =	vld [tilespmem:s11+$0x60];
	v5 =	vmul.f32 $8.000000000e+00, v4  }
0xa1: {  	s12 =	simm.s32 $0x0;
	s26 =	simm.s32 $0x5A80;
	v6 =	vmul.f32 $8.000000000e+00, v8;
	v4 =	vld [tilespmem:s11+$0xFFFFFF80];
	[tilespmem:s11+$0x0] =	vst v7  }
.LBB2_7:
0xa2: {  	v7 =	vld [tilespmem:s26+$0x70];
	s12 =	sadd.s32 $0x4, s12;
	[tilespmem:s11+$0x10] =	vst v5;
	v0 =	vmul.f32 $8.000000000e+00, v0  }
0xa3: {  	v5 =	vld [tilespmem:s26+$0xFFFFFF90];
	p1 =	slt.u32 s12, $0x7C;
	[tilespmem:s11+$0x20] =	vst v6;
	v1 =	vmul.f32 $8.000000000e+00, v1  }
0xa4: {  	v6 =	vld [tilespmem:s26+$0xFFFFFFA0];
	[tilespmem:s11+$0x30] =	vst v0;
	v0 =	vmul.f32 $8.000000000e+00, v2  }
0xa5: {  	v2 =	vld [tilespmem:s26+$0xFFFFFFB0];
	[tilespmem:s11+$0x40] =	vst v1;
	v1 =	vmul.f32 $8.000000000e+00, v3  }
0xa6: {  	v3 =	vld [tilespmem:s26+$0xFFFFFFC0];
	v4 =	vmul.f32 $8.000000000e+00, v4;
	[tilespmem:s11+$0x50] =	vst v0  }
0xa7: {  	v0 =	vld [tilespmem:s26+$0xFFFFFFD0];
	v7 =	vmul.f32 $8.000000000e+00, v7;
	[tilespmem:s11+$0x60] =	vst v1  }
0xa8: {  	v1 =	vmul.f32 $8.000000000e+00, v5;
	v5 =	vld [tilespmem:s26+$0xFFFFFFE0];
	[tilespmem:s11+$0xFFFFFF80] =	vst v4;
	s11 =	smov.u32 s26  }
0xa9: {  	v4 =	vmul.f32 $8.000000000e+00, v6;
	v6 =	vld [tilespmem:s26+$0xFFFFFFF0];
	[tilespmem:s26+$0x70] =	vst v7  }
0xaa: {  	[tilespmem:s26+$0xFFFFFF90] =	vst v1;
	v1 =	vmul.f32 $8.000000000e+00, v2;
	v2 =	vld [tilespmem:s26+$0x0]  }
0xab: {  	[tilespmem:s26+$0xFFFFFFA0] =	vst v4;
	v3 =	vmul.f32 $8.000000000e+00, v3;
	v4 =	vld [tilespmem:s26+$0x10]  }
0xac: {  	[tilespmem:s26+$0xFFFFFFB0] =	vst v1;
	v1 =	vmul.f32 $8.000000000e+00, v0;
	v7 =	vld [tilespmem:s26+$0x20]  }
.Ltmp4:
0xad: {  	[tilespmem:s26+$0xFFFFFFC0] =	vst v3;
	v3 =	vmul.f32 $8.000000000e+00, v5;
	v0 =	vld [tilespmem:s26+$0x30];
	(pc) =	sbr.rel @p1 .LBB2_7-.Ltmp4, $4  }
0xae: {  	[tilespmem:s26+$0xFFFFFFD0] =	vst v1;
	v5 =	vmul.f32 $8.000000000e+00, v6;
	v1 =	vld [tilespmem:s26+$0x40]  }
0xaf: {  	[tilespmem:s26+$0xFFFFFFE0] =	vst v3;
	v6 =	vmul.f32 $8.000000000e+00, v2;
	v2 =	vld [tilespmem:s26+$0x50]  }
0xb0: {  	[tilespmem:s26+$0xFFFFFFF0] =	vst v5;
	v5 =	vmul.f32 $8.000000000e+00, v4;
	v3 =	vld [tilespmem:s26+$0x60]  }
0xb1: {  	s26 =	sadd.s32 $0x100, s26;
	v4 =	vld [tilespmem:s11+$0xFFFFFF80];
	[tilespmem:s11+$0x0] =	vst v6;
	v6 =	vmul.f32 $8.000000000e+00, v7  }
0xb2: {  	[tilespmem:s11+$0x10] =	vst v5;
	v0 =	vmul.f32 $8.000000000e+00, v0  }
0xb3: {  	[tilespmem:s11+$0x20] =	vst v6;
	v1 =	vmul.f32 $8.000000000e+00, v1  }
0xb4: {  	[tilespmem:s11+$0x30] =	vst v0;
	v0 =	vmul.f32 $8.000000000e+00, v2  }
0xb5: {  	[tilespmem:s11+$0x40] =	vst v1;
	v1 =	vmul.f32 $8.000000000e+00, v3  }
0xb6: {  	s12 =	sadd.s32 s9, s18;
	v2 =	vmul.f32 $8.000000000e+00, v4;
	[tilespmem:s11+$0x50] =	vst v0  }
0xb7: {  	s12 =	sshrl.u32 s12, $0x3;
	[tilespmem:s11+$0x60] =	vst v1  }
0xb8: {  	s26 =	sadd.s32 s2, s12;
	[tilespmem:s11+$0xFFFFFF80] =	vst v2;
	s11 =	simm.s32 @!p0 $0x7  }
0xb9: {  	[hbm4b:s26+s3] =	stream.linear.scatter [tilespmem:s17], [sflag:$0x8], $0x2000, $0x38;
	[tilespmem:$0xB900] =	vst v63  }
0xba: {  	_ =	swait.ge @!p0 [sflag:s11], $0x2000  }
0xbb: {  	s12 =	simm.s32 @!p0 $0x80;
	[sflag:s11] =	ssyncset.done @!p0 $0x0  }
0xbc: {  	s26 =	simm.s32 @!p0 $0x3900;
	[sflag:s11] =	ssyncadd.s32 @!p0 $0xFFFFE000;
	s11 =	sadd.s32 @!p0 $0x300, s7  }
0xbd: {  	[tilespmem:s26], [sflag:$0x2] =	stream.indirect.gather @!p0 [hbm4b:s6+s12], $0x40, s11, s12, $0xb8;
	[tilespmem:$0xB900] =	vst v63  }
0xbe: {  	_ =	swait.ge [sflag:s24], $0x2000  }
0xbf: {  	[sflag:s24] =	ssyncset.done $0x0  }
0xc0: {  	s11 =	simm.s32 $0x7980;
	[sflag:s24] =	ssyncadd.s32 $0xFFFFE000  }
0xc1: {  	v0 =	vld [tilespmem:s11+$0x70]  }
0xc2: {  	v1 =	vld [tilespmem:s11+$0xFFFFFF90]  }
0xc3: {  	v2 =	vld [tilespmem:s11+$0xFFFFFFA0]  }
0xc4: {  	v3 =	vld [tilespmem:s11+$0xFFFFFFB0]  }
0xc5: {  	v4 =	vld [tilespmem:s11+$0xFFFFFFC0]  }
0xc6: {  	v5 =	vld [tilespmem:s11+$0xFFFFFFD0];
	v0 =	vmul.f32 $8.000000000e+00, v0  }
0xc7: {  	v6 =	vld [tilespmem:s11+$0xFFFFFFE0];
	v1 =	vmul.f32 $8.000000000e+00, v1  }
0xc8: {  	v7 =	vld [tilespmem:s11+$0xFFFFFFF0];
	v2 =	vmul.f32 $8.000000000e+00, v2;
	[tilespmem:s11+$0x70] =	vst v0  }
0xc9: {  	[tilespmem:s11+$0xFFFFFF90] =	vst v1;
	v0 =	vmul.f32 $8.000000000e+00, v3;
	v3 =	vld [tilespmem:s11+$0x0]  }
0xca: {  	[tilespmem:s11+$0xFFFFFFA0] =	vst v2;
	v1 =	vmul.f32 $8.000000000e+00, v4;
	v4 =	vld [tilespmem:s11+$0x10]  }
0xcb: {  	v8 =	vld [tilespmem:s11+$0x20];
	v2 =	vmul.f32 $8.000000000e+00, v5;
	[tilespmem:s11+$0xFFFFFFB0] =	vst v0  }
0xcc: {  	v5 =	vmul.f32 $8.000000000e+00, v6;
	[tilespmem:s11+$0xFFFFFFC0] =	vst v1;
	v0 =	vld [tilespmem:s11+$0x30]  }
0xcd: {  	v6 =	vmul.f32 $8.000000000e+00, v7;
	[tilespmem:s11+$0xFFFFFFD0] =	vst v2;
	v1 =	vld [tilespmem:s11+$0x40]  }
0xce: {  	[tilespmem:s11+$0xFFFFFFE0] =	vst v5;
	v2 =	vld [tilespmem:s11+$0x50];
	v7 =	vmul.f32 $8.000000000e+00, v3  }
0xcf: {  	[tilespmem:s11+$0xFFFFFFF0] =	vst v6;
	v3 =	vld [tilespmem:s11+$0x60];
	v5 =	vmul.f32 $8.000000000e+00, v4  }
0xd0: {  	s12 =	simm.s32 $0x0;
	s26 =	simm.s32 $0x7A80;
	v6 =	vmul.f32 $8.000000000e+00, v8;
	v4 =	vld [tilespmem:s11+$0xFFFFFF80];
	[tilespmem:s11+$0x0] =	vst v7  }
.LBB2_9:
0xd1: {  	v7 =	vld [tilespmem:s26+$0x70];
	s12 =	sadd.s32 $0x4, s12;
	[tilespmem:s11+$0x10] =	vst v5;
	v0 =	vmul.f32 $8.000000000e+00, v0  }
0xd2: {  	v5 =	vld [tilespmem:s26+$0xFFFFFF90];
	p1 =	slt.u32 s12, $0x7C;
	[tilespmem:s11+$0x20] =	vst v6;
	v1 =	vmul.f32 $8.000000000e+00, v1  }
0xd3: {  	v6 =	vld [tilespmem:s26+$0xFFFFFFA0];
	[tilespmem:s11+$0x30] =	vst v0;
	v0 =	vmul.f32 $8.000000000e+00, v2  }
0xd4: {  	v2 =	vld [tilespmem:s26+$0xFFFFFFB0];
	[tilespmem:s11+$0x40] =	vst v1;
	v1 =	vmul.f32 $8.000000000e+00, v3  }
0xd5: {  	v3 =	vld [tilespmem:s26+$0xFFFFFFC0];
	v4 =	vmul.f32 $8.000000000e+00, v4;
	[tilespmem:s11+$0x50] =	vst v0  }
0xd6: {  	v0 =	vld [tilespmem:s26+$0xFFFFFFD0];
	v7 =	vmul.f32 $8.000000000e+00, v7;
	[tilespmem:s11+$0x60] =	vst v1  }
0xd7: {  	v1 =	vmul.f32 $8.000000000e+00, v5;
	v5 =	vld [tilespmem:s26+$0xFFFFFFE0];
	[tilespmem:s11+$0xFFFFFF80] =	vst v4;
	s11 =	smov.u32 s26  }
0xd8: {  	v4 =	vmul.f32 $8.000000000e+00, v6;
	v6 =	vld [tilespmem:s26+$0xFFFFFFF0];
	[tilespmem:s26+$0x70] =	vst v7  }
0xd9: {  	[tilespmem:s26+$0xFFFFFF90] =	vst v1;
	v1 =	vmul.f32 $8.000000000e+00, v2;
	v2 =	vld [tilespmem:s26+$0x0]  }
0xda: {  	[tilespmem:s26+$0xFFFFFFA0] =	vst v4;
	v3 =	vmul.f32 $8.000000000e+00, v3;
	v4 =	vld [tilespmem:s26+$0x10]  }
0xdb: {  	[tilespmem:s26+$0xFFFFFFB0] =	vst v1;
	v1 =	vmul.f32 $8.000000000e+00, v0;
	v7 =	vld [tilespmem:s26+$0x20]  }
.Ltmp5:
0xdc: {  	[tilespmem:s26+$0xFFFFFFC0] =	vst v3;
	v3 =	vmul.f32 $8.000000000e+00, v5;
	v0 =	vld [tilespmem:s26+$0x30];
	(pc) =	sbr.rel @p1 .LBB2_9-.Ltmp5, $4  }
0xdd: {  	[tilespmem:s26+$0xFFFFFFD0] =	vst v1;
	v5 =	vmul.f32 $8.000000000e+00, v6;
	v1 =	vld [tilespmem:s26+$0x40]  }
0xde: {  	[tilespmem:s26+$0xFFFFFFE0] =	vst v3;
	v6 =	vmul.f32 $8.000000000e+00, v2;
	v2 =	vld [tilespmem:s26+$0x50]  }
0xdf: {  	[tilespmem:s26+$0xFFFFFFF0] =	vst v5;
	v5 =	vmul.f32 $8.000000000e+00, v4;
	v3 =	vld [tilespmem:s26+$0x60]  }
0xe0: {  	s26 =	sadd.s32 $0x100, s26;
	v4 =	vld [tilespmem:s11+$0xFFFFFF80];
	[tilespmem:s11+$0x0] =	vst v6;
	v6 =	vmul.f32 $8.000000000e+00, v7  }
0xe1: {  	[tilespmem:s11+$0x10] =	vst v5;
	v0 =	vmul.f32 $8.000000000e+00, v0  }
0xe2: {  	[tilespmem:s11+$0x20] =	vst v6;
	v1 =	vmul.f32 $8.000000000e+00, v1  }
0xe3: {  	[tilespmem:s11+$0x30] =	vst v0;
	v0 =	vmul.f32 $8.000000000e+00, v2  }
0xe4: {  	[tilespmem:s11+$0x40] =	vst v1;
	v1 =	vmul.f32 $8.000000000e+00, v3  }
0xe5: {  	s12 =	sadd.s32 s10, s18;
	v2 =	vmul.f32 $8.000000000e+00, v4;
	[tilespmem:s11+$0x50] =	vst v0  }
0xe6: {  	s12 =	sshrl.u32 s12, $0x3;
	[tilespmem:s11+$0x60] =	vst v1  }
0xe7: {  	s26 =	sadd.s32 s2, s12;
	[tilespmem:s11+$0xFFFFFF80] =	vst v2;
	s11 =	simm.s32 @!p0 $0x8  }
0xe8: {  	[hbm4b:s26+s3] =	stream.linear.scatter [tilespmem:s19], [sflag:$0x9], $0x2000, $0x38;
	[tilespmem:$0xB900] =	vst v63  }
0xe9: {  	_ =	swait.ge @!p0 [sflag:s11], $0x2000  }
0xea: {  	s7 =	sadd.s32 @!p0 $0x380, s7;
	[sflag:s11] =	ssyncset.done @!p0 $0x0  }
0xeb: {  	s12 =	simm.s32 @!p0 $0x5900;
	[sflag:s11] =	ssyncadd.s32 @!p0 $0xFFFFE000;
	s11 =	simm.s32 @!p0 $0x80  }
0xec: {  	[tilespmem:s12], [sflag:$0x3] =	stream.indirect.gather @!p0 [hbm4b:s6+s11], $0x40, s7, s11, $0xb8;
	[tilespmem:$0xB900] =	vst v63  }
0xed: {  	_ =	swait.ge [sflag:s25], $0x2000  }
0xee: {  	[sflag:s25] =	ssyncset.done $0x0  }
0xef: {  	s7 =	simm.s32 $0x9980;
	[sflag:s25] =	ssyncadd.s32 $0xFFFFE000  }
0xf0: {  	v0 =	vld [tilespmem:s7+$0x70]  }
0xf1: {  	v1 =	vld [tilespmem:s7+$0xFFFFFF90]  }
0xf2: {  	v2 =	vld [tilespmem:s7+$0xFFFFFFA0]  }
0xf3: {  	v3 =	vld [tilespmem:s7+$0xFFFFFFB0]  }
0xf4: {  	v4 =	vld [tilespmem:s7+$0xFFFFFFC0]  }
0xf5: {  	v5 =	vld [tilespmem:s7+$0xFFFFFFD0];
	v0 =	vmul.f32 $8.000000000e+00, v0  }
0xf6: {  	v6 =	vld [tilespmem:s7+$0xFFFFFFE0];
	v1 =	vmul.f32 $8.000000000e+00, v1  }
0xf7: {  	v7 =	vld [tilespmem:s7+$0xFFFFFFF0];
	v2 =	vmul.f32 $8.000000000e+00, v2;
	[tilespmem:s7+$0x70] =	vst v0  }
0xf8: {  	[tilespmem:s7+$0xFFFFFF90] =	vst v1;
	v0 =	vmul.f32 $8.000000000e+00, v3;
	v3 =	vld [tilespmem:s7+$0x0]  }
0xf9: {  	[tilespmem:s7+$0xFFFFFFA0] =	vst v2;
	v1 =	vmul.f32 $8.000000000e+00, v4;
	v4 =	vld [tilespmem:s7+$0x10]  }
0xfa: {  	v8 =	vld [tilespmem:s7+$0x20];
	v2 =	vmul.f32 $8.000000000e+00, v5;
	[tilespmem:s7+$0xFFFFFFB0] =	vst v0  }
0xfb: {  	v5 =	vmul.f32 $8.000000000e+00, v6;
	[tilespmem:s7+$0xFFFFFFC0] =	vst v1;
	v0 =	vld [tilespmem:s7+$0x30]  }
0xfc: {  	v6 =	vmul.f32 $8.000000000e+00, v7;
	[tilespmem:s7+$0xFFFFFFD0] =	vst v2;
	v1 =	vld [tilespmem:s7+$0x40]  }
0xfd: {  	[tilespmem:s7+$0xFFFFFFE0] =	vst v5;
	v2 =	vld [tilespmem:s7+$0x50];
	v7 =	vmul.f32 $8.000000000e+00, v3  }
0xfe: {  	[tilespmem:s7+$0xFFFFFFF0] =	vst v6;
	v3 =	vld [tilespmem:s7+$0x60];
	v5 =	vmul.f32 $8.000000000e+00, v4  }
0xff: {  	s11 =	simm.s32 $0x0;
	s12 =	simm.s32 $0x9A80;
	v6 =	vmul.f32 $8.000000000e+00, v8;
	v4 =	vld [tilespmem:s7+$0xFFFFFF80];
	[tilespmem:s7+$0x0] =	vst v7  }
.LBB2_11:
0x100: {  	v7 =	vld [tilespmem:s12+$0x70];
	s11 =	sadd.s32 $0x4, s11;
	[tilespmem:s7+$0x10] =	vst v5;
	v0 =	vmul.f32 $8.000000000e+00, v0  }
0x101: {  	v5 =	vld [tilespmem:s12+$0xFFFFFF90];
	p1 =	slt.u32 s11, $0x7C;
	[tilespmem:s7+$0x20] =	vst v6;
	v1 =	vmul.f32 $8.000000000e+00, v1  }
0x102: {  	v6 =	vld [tilespmem:s12+$0xFFFFFFA0];
	[tilespmem:s7+$0x30] =	vst v0;
	v0 =	vmul.f32 $8.000000000e+00, v2  }
0x103: {  	v2 =	vld [tilespmem:s12+$0xFFFFFFB0];
	[tilespmem:s7+$0x40] =	vst v1;
	v1 =	vmul.f32 $8.000000000e+00, v3  }
0x104: {  	v3 =	vld [tilespmem:s12+$0xFFFFFFC0];
	v4 =	vmul.f32 $8.000000000e+00, v4;
	[tilespmem:s7+$0x50] =	vst v0  }
0x105: {  	v0 =	vld [tilespmem:s12+$0xFFFFFFD0];
	v7 =	vmul.f32 $8.000000000e+00, v7;
	[tilespmem:s7+$0x60] =	vst v1  }
0x106: {  	v1 =	vmul.f32 $8.000000000e+00, v5;
	v5 =	vld [tilespmem:s12+$0xFFFFFFE0];
	[tilespmem:s7+$0xFFFFFF80] =	vst v4;
	s7 =	smov.u32 s12  }
0x107: {  	v4 =	vmul.f32 $8.000000000e+00, v6;
	v6 =	vld [tilespmem:s12+$0xFFFFFFF0];
	[tilespmem:s12+$0x70] =	vst v7  }
0x108: {  	[tilespmem:s12+$0xFFFFFF90] =	vst v1;
	v1 =	vmul.f32 $8.000000000e+00, v2;
	v2 =	vld [tilespmem:s12+$0x0]  }
0x109: {  	[tilespmem:s12+$0xFFFFFFA0] =	vst v4;
	v3 =	vmul.f32 $8.000000000e+00, v3;
	v4 =	vld [tilespmem:s12+$0x10]  }
0x10a: {  	[tilespmem:s12+$0xFFFFFFB0] =	vst v1;
	v1 =	vmul.f32 $8.000000000e+00, v0;
	v7 =	vld [tilespmem:s12+$0x20]  }
.Ltmp6:
0x10b: {  	[tilespmem:s12+$0xFFFFFFC0] =	vst v3;
	v3 =	vmul.f32 $8.000000000e+00, v5;
	v0 =	vld [tilespmem:s12+$0x30];
	(pc) =	sbr.rel @p1 .LBB2_11-.Ltmp6, $4  }
0x10c: {  	[tilespmem:s12+$0xFFFFFFD0] =	vst v1;
	v5 =	vmul.f32 $8.000000000e+00, v6;
	v1 =	vld [tilespmem:s12+$0x40]  }
0x10d: {  	[tilespmem:s12+$0xFFFFFFE0] =	vst v3;
	v6 =	vmul.f32 $8.000000000e+00, v2;
	v2 =	vld [tilespmem:s12+$0x50]  }
0x10e: {  	[tilespmem:s12+$0xFFFFFFF0] =	vst v5;
	v5 =	vmul.f32 $8.000000000e+00, v4;
	v3 =	vld [tilespmem:s12+$0x60]  }
0x10f: {  	s12 =	sadd.s32 $0x100, s12;
	v4 =	vld [tilespmem:s7+$0xFFFFFF80];
	[tilespmem:s7+$0x0] =	vst v6;
	v6 =	vmul.f32 $8.000000000e+00, v7  }
0x110: {  	[tilespmem:s7+$0x10] =	vst v5;
	v0 =	vmul.f32 $8.000000000e+00, v0  }
0x111: {  	[tilespmem:s7+$0x20] =	vst v6;
	v1 =	vmul.f32 $8.000000000e+00, v1  }
0x112: {  	[tilespmem:s7+$0x30] =	vst v0;
	v61 =	vmul.f32 $8.000000000e+00, v2  }
.Ltmp7:
0x113: {  	s11 =	sshll.u32 s16, $0xD;
	[tilespmem:s7+$0x40] =	vst v1;
	v62 =	vmul.f32 $8.000000000e+00, v3;
	(pc) =	sbr.rel @p0 .LBB2_14-.Ltmp7, $4  }
0x114: {  	s11 =	sadd.s32 s5, s11;
	v63 =	vmul.f32 $8.000000000e+00, v4;
	[tilespmem:s7+$0x50] =	vst v61  }
0x115: {  	s11 =	sshrl.u32 s11, $0x3;
	[tilespmem:s7+$0x60] =	vst v62  }
0x116: {  	s26 =	sadd.s32 s2, s11;
	[tilespmem:s7+$0xFFFFFF80] =	vst v63  }
0x117: {  	[hbm4b:s26+s3] =	stream.linear.scatter [tilespmem:s21], [sflag:$0xA], $0x2000, $0x38;
	[tilespmem:$0xB900] =	vst v63  }
0x118: {  	s7 =	smul.u32 $0xA00, s0  }
.Ltmp8:
0x119: {  	_ = 	snop;
	(pc) =	sbr.rel .LBB2_2-.Ltmp8, $4  }
0x11a: {  	_ =	swait.ge [sflag:s30], $0x2000  }
0x11b: {  	[sflag:s30] =	ssyncset.done $0x0;
	s7 =	sshra.s32 s7, $0x2  }
0x11c: {  	s0 =	sadd.s32 $0x1, s0;
	[sflag:s30] =	ssyncadd.s32 $0xFFFFE000;
	s7 =	sadd.s32 $0x400, s7  }
0x11d: {  	[tilespmem:s19], [sflag:$0x4] =	stream.indirect.gather [hbm4b:s6+s13], $0x40, s7, s13, $0xb8;
	[tilespmem:$0xB900] =	vst v63  }
.LBB2_15:
0x11e: {  	_ =	sfence.sel $0x180000  }
0x11f: {  	[bflag:$0x0] =	sbarrier.arrive $0xFFFF  }
0x120: {  	_ =	strace $0x90000047  }
0x121: {  	s0 =	stileid.u32;
	[bflag:$0x2] =	sbarrier.arrive $0xFFFF  }
0x122: {  	p0 =	sne.s32 s0, $0x0;
	s0 =	rddreg [dreg:$0x2]  }
0x123: {  	s0 =	sadd.s32 @!p0 $0x100000, s0  }
0x124: {  	[sflag:s0] =	ssyncadd.tile.s32 @!p0 $0x1;
	_ =	shalt  }
.Lfunc_end2:
_tile_overlayer_lowered:
.L_overlay_start_2:
0x125: {  	(tag) =	ssettag $0x2  }
0x126: {  	s0 =	rddreg [dreg:$0x0];
	s2 =	stileid.u32  }
0x127: {  	s1 =	rddreg [dreg:$0x1];
	p0 =	sne.s32 s2, $0x0  }
0x128: {  	s3 =	rddreg [dreg:$0x2];
	[bflag:$0x3] =	sbarrier.arrive $0xFFFF;
	s2 =	simm.s32 @!p0 $0x1C0B  }
0x129: {  	[timem:s3], [sflag:s2] =	dma.local @!p0 [hbm:s0], s1  }
0x12a: {  	s0 =	simm.s32 @!p0 $0xB  }
0x12b: {  	_ =	swait.ge @!p0 [sflag:s0], s1  }
0x12c: {  	s1 =	ssub.s32 @!p0 $0x0, s1;
	[sflag:s0] =	ssyncset.done @!p0 $0x0  }
0x12d: {  	[sflag:s0] =	ssyncadd.s32 @!p0 s1  }
0x12e: {  	[bflag:$0x3] =	sbarrier.arrive $0xFFFF  }
0x12f: {  	_ =	shalt  }

// kernel: sparse-core-data-format-call.cloned.1.call-start
scs
called_computation_lowered:
.L_overlay_start_0:
0x0: {  	s2 =	sld [smem:$0x3FD9]  }
0x1: {  	s3 =	sld [smem:$0x3FFE];
	_ =	sdelay $0x1  }
0x2: {  	s1 =	srdreg.scid  }
0x3: {  	s0 =	sand.u32 $0x1, s1  }
0x4: {  	s18 =	sshll.u32 s0, $0xA;
	s2 =	sadd.s32 s3, s2  }
0x5: {  	s2 =	sadd.s32 s2, s18  }
0x6: {  	[smem:$0x3FC6] =	sst s2  }
0x7: {  	_ = 	snop  }
0x8: {  	s2 =	sld [smem:$0x3FD0];
	(tm) =	ssettm $0x1  }
0x9: {  	s19 =	sld [smem:$0x3FFB];
	_ =	sdelay $0x3  }
0xa: {  	_ =	strace s19  }
0xb: {  	s3 =	sld [smem:$0x3FFC];
	_ =	sdelay $0x3  }
0xc: {  	_ =	strace s3  }
0xd: {  	s3 =	sld [smem:$0x3FFD];
	_ =	sdelay $0x3  }
0xe: {  	_ =	strace s3  }
0xf: {  	_ =	strace $0x8FFFFFFF  }
0x10: {  	s20 =	sld [smem:$0x3FDB];
	_ =	sdelay $0x1  }
0x11: {  	s4 =	simm.s32 $_scs_section_size  }
0x12: {  	s5 =	simm.s32 $_size__tile_overlayer_lowered;
	s6 =	simm.s32 $_tile_overlayer_lowered  }
0x13: {  	s23 =	simm.s32 $0x1BFF;
	s22 =	sshll.u32 s6, $0x1;
	s3 =	sadd.s32 s4, s20  }
0x14: {  	s7 =	simm.s32 $0x0;
	s21 =	sshll.u32 s5, $0x1;
	s5 =	sadd.s32 s22, s3  }
0x15: {  	[timem:s7], [sflag:s23] =	dma.local [hbm:s5], s21  }
0x16: {  	_ =	swait.ge [sflag:s23], s21  }
0x17: {  	s4 =	ssub.s32 $0x0, s21;
	[sflag:s23] =	ssyncset.done $0x0  }
0x18: {  	[sflag:s23] =	ssyncadd.s32 s4;
	_ =	sdelay $0x1  }
0x19: {  	s24 =	simm.s32 $0x1B8B  }
0x1a: {  	_ =	swait.ge [sflag:s24], $0x1  }
0x1b: {  	[sflag:s24] =	ssyncset.done $0x0  }
0x1c: {  	s26 =	simm.s32 $0x1B8E;
	s25 =	sld [smem:$0x3FFE];
	[sflag:s24] =	ssyncadd.s32 $0xFFFFFFFF  }
0x1d: {  	s27 =	simm.s32 $execute0_lowered;
	[smem:$0x3FD2] =	sst s26  }
0x1e: {  	s5 =	sshll.u32 s27, $0x1;
	_ =	strace $0x80000049;
	[dreg:$0x1] =	wrdreg $0xFFFFFFFF  }
0x1f: {  	s28 =	simm.s32 $_size_execute0_lowered;
	s3 =	sadd.s32 s3, s5;
	[dreg:$0x0] =	wrdreg $0x0  }
0x20: {  	s5 =	sshll.u32 s28, $0x1;
	[dreg:$0x2] =	wrdreg s3  }
0x21: {  	[dreg:$0x3] =	wrdreg s5  }
0x22: {  	[dreg:$0x4] =	wrdreg $0xC0  }
0x23: {  	_ =	task [dreg:s7], $0x5FFFF  }
0x24: {  	[dreg:$0x1] =	wrdreg $0xFFFFFFFF  }
0x25: {  	[dreg:$0x0] =	wrdreg $0x60  }
0x26: {  	[dreg:$0x2] =	wrdreg s25  }
0x27: {  	[dreg:$0x3] =	wrdreg s2  }
0x28: {  	[dreg:$0x4] =	wrdreg $0x9  }
0x29: {  	_ =	task.clear_ibuf [dreg:s7], $0x5FFFF;
	_ =	strace $0x90000049  }
0x2a: {  	s29 =	simm.s32 $0x9;
	_ =	strace $0x8000004B  }
0x2b: {  	_ =	swait.ge [sflag:s29], $0x1  }
0x2c: {  	[sflag:s29] =	ssyncadd.s32 $0xFFFFFFFF  }
0x2d: {  	_ =	strace $0x9000004B  }
0x2e: {  	_ =	sfence  }
0x2f: {  	s30 =	sld [smem:$0x0];
	_ =	sdelay $0x2  }
0x30: {  	s31 =	sshll.u32 s1, $0xD;
	s1 =	sshrl.u32 s1, $0x2  }
0x31: {  	s3 =	sand.u32 $0x4000, s31;
	s1 =	sadd.s32 s1, s30  }
0x32: {  	s0 =	sor.u32 s3, s0;
	s1 =	sshll.u32 s1, $0x11  }
0x33: {  	s0 =	sor.u32 s1, s0  }
0x34: {  	s0 =	sadd.s32 $0x8F2B, s0  }
0x35: {  	[sflag:s0] =	ssyncadd.remote.s32 $0x1  }
0x36: {  	_ =	sfence.sel $0xFFFF  }
0x37: {  	[dreg:$0x0] =	wrdreg $0xFFFFFFFF;
	(pc) =	sbr.abs _section_cstart, $3  }
0x38: {  	[dreg:$0x1] =	wrdreg $0xFFFFFFFF  }
0x39: {  	_ =	task.clear_ibuf [dreg:s7], $0x2FFFF;
	_ =	strace $0x9FFFFFFF  }
0x3a: {  	(tm) =	ssettm $0x7FFFFFFF  }
0x3b: {  	_ =	shalt  }
tec
execute0_lowered:
.L_overlay_start_1:
0x0: {  	(tag) =	ssettag $0x1  }
0x1: {  	s0 =	stileid.u32;
	s6 =	rddreg [dreg:$0x0]  }
0x2: {  	s2 =	rddreg [dreg:$0x1];
	s5 =	srdreg.scid  }
0x3: {  	s31 =	simm.s32 $0x2;
	s13 =	simm.s32 $0x0;
	s1 =	sshll.u32 s0, $0x7  }
0x4: {  	s14 =	simm.s32 $0x0;
	s12 =	simm.s32 $0x0;
	s3 =	sand.u32 $0x380, s1  }
0x5: {  	s5 =	sshll.u32 s5, $0x4;
	s6 =	sadd.s32 $0x800, s6;
	s4 =	ssub.s32 $0x400, s3  }
0x6: {  	s1 =	rddreg [dreg:$0x2];
	_ =	strace $0x8000004A;
	s7 =	sand.u32 $0x380, s4  }
0x7: {  	s5 =	sand.u32 $0x10, s5;
	p0 =	sne.s32 s7, $0x0;
	s7 =	simm.s32 $0x1  }
.Ltmp0:
0x8: {  	s8 =	sshrl.u32 s4, $0xA;
	s7 =	simm.s32 @!p0 $0x0;
	(pc) =	sbr.rel .LBB1_1-.Ltmp0, $4  }
0x9: {  	s9 =	sor.u32 s0, s5;
	s4 =	simm.s32 $0x1;
	s30 =	sadd.s32 s7, s8  }
0xa: {  	s11 =	smov.u32 s3;
	[sflag:s4] =	ssyncpa.u1 $0x0;
	s5 =	smul.u32 $0x32, s30  }
0xb: {  	[sflag:s31] =	ssyncpa.u1 $0x0;
	p0 =	por $0x0, $0x0;
	s7 =	sshrl.u32 s9, $0x3  }
0xc: {  	s9 =	simm.s32 $0x2000;
	s10 =	smov.u32 s7;
	s8 =	sor.u32 $0x1, s5  }
.LBB1_4:
0xd: {  	s17 =	sand.u32 $0x1F80, s14;
	s13 =	sshll.u32 s13, $0xD  }
0xe: {  	[tilespmem:s16+$0x810 ss:$0x81] =	vst.msk $0xffff, v2;
	s18 =	sshrl.u32 s14, $0x3;
	s31 =	sand.u32 $0x7, s14;
	s17 =	sadd.s32 s2, s17  }
0xf: {  	[tilespmem:s16+$0x1020 ss:$0x81] =	vst.msk $0xffff, v0;
	s18 =	sand.u32 $0xF, s18;
	s14 =	sshll.u32 s31, $0x12;
	s13 =	sadd.s32 s13, s17  }
0x10: {  	[tilespmem:s16+$0x0 ss:$0x81] =	vst.msk $0xffff, v1;
	s14 =	sor.u32 $0x400, s14;
	s13 =	sadd.s32 s18, s13  }
0x11: {  	[hbm4b:s13+s14] =	stream.strided.scatter [tilespmem:s15], [sflag:$0x2], $0x2000, s9, s14, $0x20;
	[tilespmem:$0x8080] =	vst v63  }
.LBB1_5:
0x12: {  	s15 =	sadd.s32 $0x4, s10  }
0x13: {  	s13 =	sadd.s32 $0x400, s11;
	s17 =	smov.u32 s11;
	p2 =	sgt.s32 s15, $0xC7  }
0x14: {  	s17 =	smov.u32 @p2 s13  }
0x15: {  	s15 =	smov.u32 @p2 s7;
	p2 =	sgt.s32 s17, $0x3FF  }
0x16: {  	s17 =	smov.u32 @p2 s3;
	p2 =	sne.s32 s12, s8  }
.Ltmp1:
0x17: {  	p1 =	slt.u32 s12, $0x2;
	(pc) =	sbr.rel @!p2 .LBB1_6-.Ltmp1, $4  }
0x18: {  	s16 =	simm.s32 @!p1 $0x2  }
0x19: {  	s14 =	smov.u32 s11;
	p0 =	por !p0, !p0;
	_ =	swait.ge @!p1 [sflag:s16], $0x2000  }
0x1a: {  	s13 =	smov.u32 s10;
	[sflag:s16] =	ssyncset.done @!p1 $0x0;
	s10 =	smov.u32 s15  }
0x1b: {  	s12 =	sadd.s32 $0x1, s12;
	[sflag:s16] =	ssyncadd.s32 @!p1 $0xFFFFE000;
	s11 =	smov.u32 s17  }
.LBB1_1:
0x1c: {  	p1 =	sge.u32 s12, s5  }
0x1d: {  	s15 =	sand.u32 @!p1 $0x1FFFFFF, s10  }
0x1e: {  	s16 =	smulhi.u32 @!p1 $0x147AE15, s15;
	_ =	sdelay $0x1  }
0x1f: {  	s16 =	smul.u32 @!p1 $0xC8, s16  }
0x20: {  	s17 =	sxor.u32 @!p1 $0xFFFFFFFF, s12;
	s18 =	smul.u32 @!p1 $0xC80, s11  }
0x21: {  	s31 =	sadd.s32 $0xFFFFFFFF, s12;
	s17 =	sshll.u32 @!p1 s17, $0xD;
	s15 =	ssub.s32 @!p1 s15, s16  }
0x22: {  	s16 =	sand.u32 @!p1 $0x2000, s17;
	s17 =	sadd.s32 @!p1 s6, s18;
	s15 =	sshll.u32 @!p1 s15, $0x4  }
0x23: {  	s18 =	simm.s32 @!p1 $0x6400;
	s15 =	sadd.s32 @!p1 s15, s17;
	s17 =	simm.s32 @!p1 $0x40  }
0x24: {  	[tilespmem:s16], [sflag:$0x1] =	stream.strided.gather @!p1 [hbm4b:s15+s17], $0x2000, s18, s17, $0x38;
	[tilespmem:$0x8080] =	vst v63  }
0x25: {  	p1 =	sge.u32 s31, s5  }
.Ltmp2:
0x26: {  	_ = 	snop;
	(pc) =	sbr.rel @p1 .LBB1_5-.Ltmp2, $1  }
0x27: {  	_ =	sdelay $0x3  }
0x28: {  	s15 =	simm.s32 $0x1  }
0x29: {  	_ =	swait.ge [sflag:s4], $0x2000;
	s15 =	simm.s32 @!p0 $0x0  }
0x2a: {  	[sflag:s4] =	ssyncset.done $0x0;
	s16 =	sshll.u32 s15, $0xD  }
0x2b: {  	[sflag:s4] =	ssyncadd.s32 $0xFFFFE000;
	s19 =	sor.u32 $0x20, s16  }
0x2c: {  	s15 =	smul.u32 $0x8100, s15;
	v3 =	vld [tilespmem:s19+$0x10]  }
0x2d: {  	s30 =	sand.u32 $0x1, s12;
	v2 =	vld [tilespmem:s19+$0xFFFFFFF0]  }
0x2e: {  	s16 =	smul.u32 $0x8100, s30;
	s15 =	sshrl.u32 s15, $0x2;
	v0 =	vld [tilespmem:s19+$0x0]  }
0x2f: {  	v1 =	vld [tilespmem:s19+$0xFFFFFFE0];
	s17 =	sor.u32 $0x4000, s15  }
0x30: {  	s31 =	sshrl.u32 s16, $0x2;
	s16 =	sadd.s32 $0x0, s17  }
0x31: {  	s18 =	simm.s32 $0x4;
	s19 =	sadd.s32 $0x40, s19;
	s15 =	sor.u32 $0x4000, s31;
	[tilespmem:s16+$0x1830 ss:$0x81] =	vst.msk $0xffff, v3  }
.LBB1_3:
0x32: {  	v3 =	vld [tilespmem:s19+$0x10];
	p1 =	sne.s32 s18, $0x1FC;
	[tilespmem:s16+$0x810 ss:$0x81] =	vst.msk $0xffff, v2;
	s20 =	smov.u32 s18;
	s18 =	sadd.s32 $0x4, s18  }
.Ltmp3:
0x33: {  	v2 =	vld [tilespmem:s19+$0xFFFFFFF0];
	[tilespmem:s16+$0x1020 ss:$0x81] =	vst.msk $0xffff, v0;
	(pc) =	sbr.rel @p1 .LBB1_3-.Ltmp3, $4  }
0x34: {  	v0 =	vld [tilespmem:s19+$0x0];
	[tilespmem:s16+$0x0 ss:$0x81] =	vst.msk $0xffff, v1  }
0x35: {  	s16 =	sshra.s32 s20, $0x2;
	v1 =	vld [tilespmem:s19+$0xFFFFFFE0]  }
0x36: {  	s16 =	sadd.s32 s16, s17  }
0x37: {  	s19 =	sadd.s32 $0x40, s19;
	[tilespmem:s16+$0x1830 ss:$0x81] =	vst.msk $0xffff, v3  }
.Ltmp4:
0x38: {  	_ = 	snop;
	(pc) =	sbr.rel .LBB1_4-.Ltmp4, $1  }
0x39: {  	_ =	sdelay $0x3  }
.LBB1_6:
0x3a: {  	_ =	sfence.sel $0x180000  }
0x3b: {  	s2 =	simm.s32 $0x1;
	[bflag:$0x0] =	sbarrier.arrive $0xFFFF  }
0x3c: {  	s31 =	simm.s32 $0x2;
	[sflag:s2] =	ssyncpa.u1 $0x1  }
0x3d: {  	[sflag:s31] =	ssyncpa.u1 $0x1  }
0x3e: {  	p0 =	sne.s32 s0, $0x0;
	_ =	strace $0x9000004A  }
0x3f: {  	s0 =	sadd.s32 @!p0 $0x100000, s1;
	[bflag:$0x2] =	sbarrier.arrive $0xFFFF  }
0x40: {  	[sflag:s0] =	ssyncadd.tile.s32 @!p0 $0x1;
	_ =	shalt  }
.Lfunc_end1:
_tile_overlayer_lowered:
.L_overlay_start_2:
0x41: {  	(tag) =	ssettag $0x2  }
0x42: {  	s0 =	rddreg [dreg:$0x0];
	s2 =	stileid.u32  }
0x43: {  	s1 =	rddreg [dreg:$0x1];
	p0 =	sne.s32 s2, $0x0  }
0x44: {  	s3 =	rddreg [dreg:$0x2];
	[bflag:$0x3] =	sbarrier.arrive $0xFFFF;
	s2 =	simm.s32 @!p0 $0x1C01  }
0x45: {  	[timem:s3], [sflag:s2] =	dma.local @!p0 [hbm:s0], s1  }
0x46: {  	s0 =	simm.s32 @!p0 $0x1  }
0x47: {  	_ =	swait.ge @!p0 [sflag:s0], s1  }
0x48: {  	s1 =	ssub.s32 @!p0 $0x0, s1;
	[sflag:s0] =	ssyncset.done @!p0 $0x0  }
0x49: {  	[sflag:s0] =	ssyncadd.s32 @!p0 s1  }
0x4a: {  	[bflag:$0x3] =	sbarrier.arrive $0xFFFF  }
0x4b: {  	_ =	shalt  }

</sc_bundles>
